<compile_context>
chip_gen: v7x
topology: tpu7x:2x2x1
jax: 0.10.2.dev20260603
libtpu: 0.0.44.dev20260713+nightly
codegen_flags: <defaults>
</compile_context>

<pallas_src>
import functools

import jax
import jax.numpy as jnp
from jax import lax
from jax.experimental import pallas as pl
from jax.experimental.pallas import tpu as pltpu
from jax.experimental.pallas import tpu_sc as plsc

N = 10000
C = 128
K = 16
NP = 10240
NP2 = 2 * NP
NPW = NP2 // 32
CB = 8
RT = 512
CT = 1024
RB = 1000

_HIGH = jax.lax.Precision.HIGHEST


def _f32dot(a, b):
    return jax.lax.dot(a, b, precision=_HIGH, preferred_element_type=jnp.float32)


def _negdist_body(xr_ref, xc_ref, o_ref):
    i = pl.program_id(0)
    j = pl.program_id(1)
    xr = xr_ref[...]
    xc = xc_ref[...]
    mm = lax.dot_general(
        xr.astype(jnp.bfloat16), xc.astype(jnp.bfloat16),
        (((1,), (1,)), ((), ())), preferred_element_type=jnp.float32)
    sqr = jnp.sum(xr * xr, axis=1, keepdims=True)
    sqc = jnp.sum(xc * xc, axis=1)
    nd = 2.0 * mm - sqr - sqc
    rid = i * RT + lax.broadcasted_iota(jnp.int32, nd.shape, 0)
    cid = j * CT + lax.broadcasted_iota(jnp.int32, nd.shape, 1)
    o_ref[...] = jnp.where(rid == cid, -jnp.inf, nd)


def _negdist(xpad):
    return pl.pallas_call(
        _negdist_body,
        grid=(NP // RT, NP // CT),
        in_specs=[
            pl.BlockSpec((RT, C), lambda i, j: (i, 0)),
            pl.BlockSpec((CT, C), lambda i, j: (j, 0)),
        ],
        out_specs=pl.BlockSpec((RT, CT), lambda i, j: (i, j)),
        out_shape=jax.ShapeDtypeStruct((NP, NP), jnp.float32),
        compiler_params=pltpu.CompilerParams(
            dimension_semantics=("parallel", "parallel")),
    )(xpad, xpad)


def _l0_body(x_ref, wu0_ref, wv0_ref, b0_ref, wu1_ref, wv1_ref, b1_ref,
             u0_ref, v0_ref, u1_ref, v1_ref):
    x = x_ref[...]
    u0_ref[...] = _f32dot(x, wu0_ref[...]) + b0_ref[...]
    v0_ref[...] = _f32dot(x, wv0_ref[...])
    u1_ref[...] = _f32dot(x, wu1_ref[...]) + b1_ref[...]
    v1_ref[...] = _f32dot(x, wv1_ref[...])


def _l0(x, wu0, wv0, b0, wu1, wv1, b1):
    w_spec = pl.BlockSpec((C, C), lambda i: (0, 0))
    b_spec = pl.BlockSpec((1, C), lambda i: (0, 0))
    r_spec = pl.BlockSpec((RB, C), lambda i: (i, 0))
    return pl.pallas_call(
        _l0_body,
        grid=(N // RB,),
        in_specs=[r_spec, w_spec, w_spec, b_spec, w_spec, w_spec, b_spec],
        out_specs=[r_spec, r_spec, r_spec, r_spec],
        out_shape=[jax.ShapeDtypeStruct((N, C), jnp.float32)] * 4,
    )(x, wu0, wv0, b0, wu1, wv1, b1)


def _l1_body(x_ref, u00_ref, m00_ref, u01_ref, m01_ref,
             wua0_ref, wub0_ref, wva0_ref, wvb0_ref, b0_ref,
             wua1_ref, wub1_ref, wva1_ref, wvb1_ref, b1_ref,
             u10_ref, v10_ref, u11_ref, v11_ref):
    x = x_ref[...]
    h00 = jax.nn.leaky_relu(u00_ref[...] + m00_ref[...], negative_slope=0.2)
    h01 = jax.nn.leaky_relu(u01_ref[...] + m01_ref[...], negative_slope=0.2)
    u10_ref[...] = _f32dot(x, wua0_ref[...]) + _f32dot(h00, wub0_ref[...]) + b0_ref[...]
    v10_ref[...] = _f32dot(x, wva0_ref[...]) + _f32dot(h00, wvb0_ref[...])
    u11_ref[...] = _f32dot(x, wua1_ref[...]) + _f32dot(h01, wub1_ref[...]) + b1_ref[...]
    v11_ref[...] = _f32dot(x, wva1_ref[...]) + _f32dot(h01, wvb1_ref[...])


def _l1(x, u00, m00, u01, m01, wua0, wub0, wva0, wvb0, b0,
        wua1, wub1, wva1, wvb1, b1):
    w_spec = pl.BlockSpec((C, C), lambda i: (0, 0))
    b_spec = pl.BlockSpec((1, C), lambda i: (0, 0))
    r_spec = pl.BlockSpec((RB, C), lambda i: (i, 0))
    return pl.pallas_call(
        _l1_body,
        grid=(N // RB,),
        in_specs=[r_spec] * 5 + [w_spec] * 4 + [b_spec] + [w_spec] * 4 + [b_spec],
        out_specs=[r_spec, r_spec, r_spec, r_spec],
        out_shape=[jax.ShapeDtypeStruct((N, C), jnp.float32)] * 4,
    )(x, u00, m00, u01, m01, wua0, wub0, wva0, wvb0, b0,
      wua1, wub1, wva1, wvb1, b1)


_SC_MESH = plsc.VectorSubcoreMesh(core_axis_name="c", subcore_axis_name="s")


@functools.partial(
    pl.kernel,
    mesh=_SC_MESH,
    out_type=jax.ShapeDtypeStruct((NP2, C), jnp.float32),
    scratch_types=[
        pltpu.VMEM((NPW * K,), jnp.int32),
        pltpu.VMEM((CB * K, C), jnp.float32),
        pltpu.VMEM((CB, C), jnp.float32),
        pltpu.SemaphoreType.DMA,
    ],
)
def _gather_max(tab_hbm, idx_hbm, out_hbm, idx_v, rows_v, out_v, sem):
    wid = lax.axis_index("s") * 2 + lax.axis_index("c")
    base = wid * NPW
    pltpu.sync_copy(idx_hbm.at[pl.ds(base * K, NPW * K)], idx_v)

    def chunk_body(cc, carry):
        pltpu.async_copy(
            tab_hbm.at[idx_v.at[pl.ds(cc * (CB * K), CB * K)]],
            rows_v, sem).wait()
        for g in range(C // 16):
            sl = pl.ds(g * 16, 16)
            accs = tuple(rows_v[n * K, sl] for n in range(CB))

            def jbody(jj, accs):
                return tuple(
                    jnp.maximum(accs[n], rows_v[n * K + jj, sl])
                    for n in range(CB))

            accs = lax.fori_loop(1, K, jbody, accs)
            for n in range(CB):
                out_v[n, sl] = accs[n]
        pltpu.sync_copy(out_v, out_hbm.at[pl.ds(base + cc * CB, CB)])
        return carry

    lax.fori_loop(0, NPW // CB, chunk_body, 0)


def _tail_body(x_ref, u00_ref, m00_ref, u10_ref, m10_ref,
               u01_ref, m01_ref, u11_ref, m11_ref, o_ref):
    x = x_ref[...]
    lr = lambda u_ref, m_ref: jax.nn.leaky_relu(
        u_ref[...] + m_ref[...], negative_slope=0.2)
    r = lax.broadcasted_iota(jnp.int32, (3 * C, 3 * C), 0)
    m = lax.broadcasted_iota(jnp.int32, (3 * C, 3 * C), 1)
    sel = (r == 3 * (m % C) + m // C).astype(jnp.float32)

    def branch(h0, h1):
        cat = jnp.concatenate([x, h0, h1], axis=1)
        a = _f32dot(cat, sel)
        return jnp.maximum(jnp.maximum(a[:, :C], a[:, C:2 * C]), a[:, 2 * C:])

    r0 = branch(lr(u00_ref, m00_ref), lr(u10_ref, m10_ref))
    r1 = branch(lr(u01_ref, m01_ref), lr(u11_ref, m11_ref))
    o_ref[...] = jnp.maximum(r0, r1) + x


def _tail(x, u00, m00, u10, m10, u01, m01, u11, m11):
    r_spec = pl.BlockSpec((RB, C), lambda i: (i, 0))
    return pl.pallas_call(
        _tail_body,
        grid=(N // RB,),
        in_specs=[r_spec] * 9,
        out_specs=r_spec,
        out_shape=jax.ShapeDtypeStruct((N, C), jnp.float32),
    )(x, u00, m00, u10, m10, u01, m01, u11, m11)


def _pad_idx(idx):
    pad = (jnp.arange((NP - N) * K, dtype=jnp.int32) * 61) % N
    return jnp.concatenate(
        [idx.astype(jnp.int32), pad.reshape(NP - N, K)], axis=0).reshape(-1)


def kernel(x, W0_0, b0_0, W0_1, b0_1, W1_0, b1_0, W1_1, b1_1):
    f32 = jnp.float32
    x = x.astype(f32)

    xpad = jnp.full((NP, C), 1e4, dtype=f32).at[:N].set(x)
    nd = _negdist(xpad)
    _, top32 = lax.top_k(nd[:N], 2 * K)
    idx_d1 = _pad_idx(top32[:, :K])
    idx_d2 = _pad_idx(top32[:, ::2])

    def split(w):
        cin = w.shape[0] // 2
        return (w[:cin] - w[cin:]).astype(f32), w[cin:].astype(f32)

    wu00, wv00 = split(W0_0)
    wu01, wv01 = split(W1_0)
    wu10, wv10 = split(W0_1)
    wu11, wv11 = split(W1_1)
    b00 = b0_0.reshape(1, C).astype(f32)
    b01 = b1_0.reshape(1, C).astype(f32)
    b10 = b0_1.reshape(1, C).astype(f32)
    b11 = b1_1.reshape(1, C).astype(f32)

    idx_both = jnp.concatenate([idx_d1, idx_d2 + N])

    u00, v00, u01, v01 = _l0(x, wu00, wv00, b00, wu01, wv01, b01)
    m0 = _gather_max(jnp.concatenate([v00, v01], axis=0), idx_both)
    m00 = m0[:N]
    m01 = m0[NP:NP + N]

    u10, v10, u11, v11 = _l1(
        x, u00, m00, u01, m01,
        wu10[:C], wu10[C:], wv10[:C], wv10[C:], b10,
        wu11[:C], wu11[C:], wv11[:C], wv11[C:], b11)
    tab1 = jnp.concatenate([v10, v11], axis=0)
    idx2d = jnp.concatenate(
        [top32[:, :K].astype(jnp.int32), top32[:, ::2].astype(jnp.int32) + N])
    m1 = jnp.max(jnp.take(tab1, idx2d, axis=0, mode="clip"), axis=1)
    m10 = m1[:N]
    m11 = m1[N:]

    return _tail(x, u00, m00, u10, m10, u01, m01, u11, m11)

# --- scband reference (transcript-rebuilt; emitter-appended) ---
"""Pipeline reference for scband-inception-dense-gcn-24352464569904 (READ-ONLY COPY).

The authoritative reference and input builder live on the scoring server;
editing this copy changes nothing except your own understanding.
"""

import jax, jax.numpy as jnp
import numpy as np

N = 10000
C = 128
K = 16
DILATIONS = (1, 2)
N_BLOCKS = 2


def knn_dilated(x, k, dilation):
    # torch_cluster knn_graph (loop=False) followed by edge_index[:, ::dilation]
    xs = jax.lax.stop_gradient(x)
    sq = jnp.sum(xs * xs, axis=1)
    dist = sq[:, None] - 2.0 * (xs @ xs.T) + sq[None, :]
    n = xs.shape[0]
    dist = dist.at[jnp.arange(n), jnp.arange(n)].set(jnp.inf)
    _, idx = jax.lax.top_k(-dist, k * dilation)  # [N, k*dilation], nearest first
    idx = idx[:, ::dilation]  # dilated neighbor selection -> [N, k]
    src = idx.reshape(-1)  # neighbor (source) nodes
    dst = jnp.repeat(jnp.arange(n), k)  # query (target) nodes
    return jnp.stack([src, dst])


def edge_conv(x, edge_index, W, b):
    # EdgeConv: max_j leaky_relu(Linear(cat([x_i, x_j - x_i])))
    src, dst = edge_index[0], edge_index[1]
    x_i = x[dst]
    x_j = x[src]
    m = jnp.concatenate([x_i, x_j - x_i], axis=-1) @ W + b
    m = jax.nn.leaky_relu(m, negative_slope=0.2)
    return jax.ops.segment_max(m, dst, num_segments=x.shape[0])


def dense_gcn(x, edge_index, params):
    # DenseGCN: DenseGraphBlocks (concat growth) then reshape + channel-group max
    for (W, b) in params:
        h = edge_conv(x, edge_index, W, b)
        x = jnp.concatenate([x, h], axis=-1)
    x = x.reshape(x.shape[0], C, N_BLOCKS + 1)
    return jnp.max(x, axis=-1)


def setup_inputs(seed: int = 0) -> dict:
    key = jax.random.key(seed)
    keys = jax.random.split(key, 16)
    inp = {"x": jax.random.normal(keys[0], (N, C), dtype=jnp.float32)}
    ki = 1
    for branch in range(len(DILATIONS)):
        for blk in range(N_BLOCKS):
            in_ch = C * (1 + blk)
            inp[f"W{branch}_{blk}"] = jax.random.normal(keys[ki], (2 * in_ch, C), dtype=jnp.float32) * (1.0 / np.sqrt(2 * in_ch))
            ki += 1
            inp[f"b{branch}_{blk}"] = jnp.zeros((C,), dtype=jnp.float32)
    return inp


def reference(x, W0_0, b0_0, W0_1, b0_1, W1_0, b1_0, W1_1, b1_1):
    params = [
        [(W0_0, b0_0), (W0_1, b0_1)],
        [(W1_0, b1_0), (W1_1, b1_1)],
    ]
    inputs = x
    res = None
    for d, ps in zip(DILATIONS, params):
        edge_index = knn_dilated(x, K, d)
        h = dense_gcn(x, edge_index, ps)
        if res is None:
            res = h
        else:
            res = jnp.maximum(res, h)  # torch.max(torch.stack([res, h]), axis=0)
    res = res + inputs  # use_residual=True
    return res

if __name__ == "__main__":
    import jax
    _d = setup_inputs()
    print(jax.jit(kernel)(*tuple(_d.values())))

</pallas_src>

<mosaic_0001>
#map = affine_map<(d0, d1) -> (0, 0)>
#map1 = affine_map<(d0, d1) -> (0)>
module attributes {stable_mosaic.version = 14 : i64} {
  func.func @_gather_max(%arg0: i32, %arg1: i32, %arg2: memref<20000x128xf32, #tpu.memory_space<hbm>>, %arg3: memref<327680xi32, #tpu.memory_space<hbm>>, %arg4: memref<20480x128xf32, #tpu.memory_space<hbm>>, %arg5: memref<10240xi32, #tpu.memory_space<vmem>>, %arg6: memref<128x128xf32, #tpu.memory_space<vmem>>, %arg7: memref<8x128xf32, #tpu.memory_space<vmem>>, %arg8: memref<!tpu.dma_semaphore, #tpu.memory_space<semaphore_mem>>) attributes {dimension_semantics = [#tpu.dimension_semantics<core_parallel>, #tpu.dimension_semantics<subcore_parallel>], iteration_bounds = array<i64: 2, 16>, scalar_prefetch = 0 : i64, scratch_operands = 4 : i64, tpu.core_type = #tpu.core_type<sc_vector_subcore>, window_params = [{transform_indices = #map}, {transform_indices = #map1}, {transform_indices = #map}]} {
    %mul3A = arith.constant 2 : i32
    %mul3A_0 = arith.muli %arg1, %mul3A : i32
    %add3A = arith.addi %mul3A_0, %arg0 : i32
    %mul3A_1 = arith.constant 640 : i32
    %mul3A_2 = arith.muli %add3A, %mul3A_1 : i32
    %mul3A_3 = arith.constant 16 : i32
    %mul3A_4 = arith.muli %mul3A_2, %mul3A_3 : i32
    "tpu.region"() ({
      %run_scoped3A = tpu.sem_alloc : memref<!tpu.dma_semaphore, #tpu.memory_space<semaphore_mem>>
      %dma_start3A = tpu.memref_slice %arg3[%mul3A_4] : memref<327680xi32, #tpu.memory_space<hbm>> -> memref<10240xi32, #tpu.memory_space<hbm>>
      %dma_start3A_10 = tpu.memref_slice %arg3[%mul3A_4] : memref<327680xi32, #tpu.memory_space<hbm>> -> memref<10240xi32, #tpu.memory_space<hbm>>
      tpu.enqueue_dma source(%dma_start3A_10 : memref<10240xi32, #tpu.memory_space<hbm>>) target(%arg5 : memref<10240xi32, #tpu.memory_space<vmem>>) target_semaphore(%run_scoped3A : memref<!tpu.dma_semaphore, #tpu.memory_space<semaphore_mem>>)
      %dma_wait3A = tpu.memref_slice %arg3[%mul3A_4] : memref<327680xi32, #tpu.memory_space<hbm>> -> memref<10240xi32, #tpu.memory_space<hbm>>
      %dma_wait3A_11 = tpu.memref_slice %arg3[%mul3A_4] : memref<327680xi32, #tpu.memory_space<hbm>> -> memref<10240xi32, #tpu.memory_space<hbm>>
      tpu.wait_dma2 semaphore(%run_scoped3A : memref<!tpu.dma_semaphore, #tpu.memory_space<semaphore_mem>>) src(%dma_wait3A_11 : memref<10240xi32, #tpu.memory_space<hbm>>) dst(%arg5 : memref<10240xi32, #tpu.memory_space<vmem>>)
      tpu.yield
    }) : () -> ()
    %scan3A = arith.constant 0 : i32
    %scan3A_5 = arith.constant 0 : i32
    %scan3A_6 = arith.constant 80 : i32
    %scan3A_7 = arith.addi %scan3A_5, %scan3A_6 : i32
    %scan3A_8 = arith.constant 1 : i32
    scf.for %scan3A_10 = %scan3A_5 to %scan3A_7 step %scan3A_8  : i32 {
      %mul3A_11 = arith.constant 128 : i32
      %mul3A_12 = arith.muli %scan3A_10, %mul3A_11 : i32
      %dma_start3A = tpu.memref_slice %arg5[%mul3A_12] : memref<10240xi32, #tpu.memory_space<vmem>> -> memref<128xi32, #tpu.memory_space<vmem>>
      %dma_start3A_13 = arith.constant 0 : i32
      %dma_start3A_14 = arith.constant 0 : i32
      %dma_start3A_15 = tpu.memref_slice %arg2[%dma_start3A_13, %dma_start3A_14] : memref<20000x128xf32, #tpu.memory_space<hbm>> -> memref<20000x128xf32, #tpu.memory_space<hbm>>
      tpu.enqueue_indirect_dma source(%dma_start3A_15 : memref<20000x128xf32, #tpu.memory_space<hbm>>) target(%arg6 : memref<128x128xf32, #tpu.memory_space<vmem>>) offsets(%dma_start3A : memref<128xi32, #tpu.memory_space<vmem>>) semaphore(%arg8 : memref<!tpu.dma_semaphore, #tpu.memory_space<semaphore_mem>>)
      %dma_wait3A = tpu.memref_slice %arg5[%mul3A_12] : memref<10240xi32, #tpu.memory_space<vmem>> -> memref<128xi32, #tpu.memory_space<vmem>>
      %dma_wait3A_16 = arith.constant 0 : i32
      %dma_wait3A_17 = arith.constant 0 : i32
      %dma_wait3A_18 = tpu.memref_slice %arg2[%dma_wait3A_16, %dma_wait3A_17] : memref<20000x128xf32, #tpu.memory_space<hbm>> -> memref<20000x128xf32, #tpu.memory_space<hbm>>
      tpu.wait_indirect_dma semaphore(%arg8 : memref<!tpu.dma_semaphore, #tpu.memory_space<semaphore_mem>>) src(%dma_wait3A_18 : memref<20000x128xf32, #tpu.memory_space<hbm>>) dst(%arg6 : memref<128x128xf32, #tpu.memory_space<vmem>>)
      %get3A = arith.constant 0 : i32
      %get3A_19 = arith.index_cast %get3A : i32 to index
      %get3A_20 = arith.constant 0 : index
      %get3A_21 = tpu.vector_load %arg6[%get3A_19, %get3A_20] {strides = array<i32>} : memref<128x128xf32, #tpu.memory_space<vmem>>, vector<1x16xf32>,
      %get3A_22 = vector.shape_cast %get3A_21 : vector<1x16xf32> to vector<16xf32>
      %get3A_23 = arith.constant 16 : i32
      %get3A_24 = arith.index_cast %get3A_23 : i32 to index
      %get3A_25 = arith.constant 0 : index
      %get3A_26 = tpu.vector_load %arg6[%get3A_24, %get3A_25] {strides = array<i32>} : memref<128x128xf32, #tpu.memory_space<vmem>>, vector<1x16xf32>,
      %get3A_27 = vector.shape_cast %get3A_26 : vector<1x16xf32> to vector<16xf32>
      %get3A_28 = arith.constant 32 : i32
      %get3A_29 = arith.index_cast %get3A_28 : i32 to index
      %get3A_30 = arith.constant 0 : index
      %get3A_31 = tpu.vector_load %arg6[%get3A_29, %get3A_30] {strides = array<i32>} : memref<128x128xf32, #tpu.memory_space<vmem>>, vector<1x16xf32>,
      %get3A_32 = vector.shape_cast %get3A_31 : vector<1x16xf32> to vector<16xf32>
      %get3A_33 = arith.constant 48 : i32
      %get3A_34 = arith.index_cast %get3A_33 : i32 to index
      %get3A_35 = arith.constant 0 : index
      %get3A_36 = tpu.vector_load %arg6[%get3A_34, %get3A_35] {strides = array<i32>} : memref<128x128xf32, #tpu.memory_space<vmem>>, vector<1x16xf32>,
      %get3A_37 = vector.shape_cast %get3A_36 : vector<1x16xf32> to vector<16xf32>
      %get3A_38 = arith.constant 64 : i32
      %get3A_39 = arith.index_cast %get3A_38 : i32 to index
      %get3A_40 = arith.constant 0 : index
      %get3A_41 = tpu.vector_load %arg6[%get3A_39, %get3A_40] {strides = array<i32>} : memref<128x128xf32, #tpu.memory_space<vmem>>, vector<1x16xf32>,
      %get3A_42 = vector.shape_cast %get3A_41 : vector<1x16xf32> to vector<16xf32>
      %get3A_43 = arith.constant 80 : i32
      %get3A_44 = arith.index_cast %get3A_43 : i32 to index
      %get3A_45 = arith.constant 0 : index
      %get3A_46 = tpu.vector_load %arg6[%get3A_44, %get3A_45] {strides = array<i32>} : memref<128x128xf32, #tpu.memory_space<vmem>>, vector<1x16xf32>,
      %get3A_47 = vector.shape_cast %get3A_46 : vector<1x16xf32> to vector<16xf32>
      %get3A_48 = arith.constant 96 : i32
      %get3A_49 = arith.index_cast %get3A_48 : i32 to index
      %get3A_50 = arith.constant 0 : index
      %get3A_51 = tpu.vector_load %arg6[%get3A_49, %get3A_50] {strides = array<i32>} : memref<128x128xf32, #tpu.memory_space<vmem>>, vector<1x16xf32>,
      %get3A_52 = vector.shape_cast %get3A_51 : vector<1x16xf32> to vector<16xf32>
      %get3A_53 = arith.constant 112 : i32
      %get3A_54 = arith.index_cast %get3A_53 : i32 to index
      %get3A_55 = arith.constant 0 : index
      %get3A_56 = tpu.vector_load %arg6[%get3A_54, %get3A_55] {strides = array<i32>} : memref<128x128xf32, #tpu.memory_space<vmem>>, vector<1x16xf32>,
      %get3A_57 = vector.shape_cast %get3A_56 : vector<1x16xf32> to vector<16xf32>
      %scan3A_58 = arith.constant 1 : i32
      %scan3A_59 = arith.constant 15 : i32
      %scan3A_60 = arith.addi %scan3A_58, %scan3A_59 : i32
      %scan3A_61 = arith.constant 1 : i32
      %scan3A_62:8 = scf.for %scan3A_772 = %scan3A_58 to %scan3A_60 step %scan3A_61 iter_args(%scan3A_773 = %get3A_22, %scan3A_774 = %get3A_27, %scan3A_775 = %get3A_32, %scan3A_776 = %get3A_37, %scan3A_777 = %get3A_42, %scan3A_778 = %get3A_47, %scan3A_779 = %get3A_52, %scan3A_780 = %get3A_57) -> (vector<16xf32>, vector<16xf32>, vector<16xf32>, vector<16xf32>, vector<16xf32>, vector<16xf32>, vector<16xf32>, vector<16xf32>)  : i32 {
        %add3A_781 = arith.constant 0 : i32
        %add3A_782 = arith.addi %add3A_781, %scan3A_772 : i32
        %get3A_783 = arith.index_cast %add3A_782 : i32 to index
        %get3A_784 = arith.constant 0 : index
        %get3A_785 = tpu.vector_load %arg6[%get3A_783, %get3A_784] {strides = array<i32>} : memref<128x128xf32, #tpu.memory_space<vmem>>, vector<1x16xf32>,
        %get3A_786 = vector.shape_cast %get3A_785 : vector<1x16xf32> to vector<16xf32>
        %max3A = arith.maximumf %scan3A_773, %get3A_786 : vector<16xf32>
        %add3A_787 = arith.constant 16 : i32
        %add3A_788 = arith.addi %add3A_787, %scan3A_772 : i32
        %get3A_789 = arith.index_cast %add3A_788 : i32 to index
        %get3A_790 = arith.constant 0 : index
        %get3A_791 = tpu.vector_load %arg6[%get3A_789, %get3A_790] {strides = array<i32>} : memref<128x128xf32, #tpu.memory_space<vmem>>, vector<1x16xf32>,
        %get3A_792 = vector.shape_cast %get3A_791 : vector<1x16xf32> to vector<16xf32>
        %max3A_793 = arith.maximumf %scan3A_774, %get3A_792 : vector<16xf32>
        %add3A_794 = arith.constant 32 : i32
        %add3A_795 = arith.addi %add3A_794, %scan3A_772 : i32
        %get3A_796 = arith.index_cast %add3A_795 : i32 to index
        %get3A_797 = arith.constant 0 : index
        %get3A_798 = tpu.vector_load %arg6[%get3A_796, %get3A_797] {strides = array<i32>} : memref<128x128xf32, #tpu.memory_space<vmem>>, vector<1x16xf32>,
        %get3A_799 = vector.shape_cast %get3A_798 : vector<1x16xf32> to vector<16xf32>
        %max3A_800 = arith.maximumf %scan3A_775, %get3A_799 : vector<16xf32>
        %add3A_801 = arith.constant 48 : i32
        %add3A_802 = arith.addi %add3A_801, %scan3A_772 : i32
        %get3A_803 = arith.index_cast %add3A_802 : i32 to index
        %get3A_804 = arith.constant 0 : index
        %get3A_805 = tpu.vector_load %arg6[%get3A_803, %get3A_804] {strides = array<i32>} : memref<128x128xf32, #tpu.memory_space<vmem>>, vector<1x16xf32>,
        %get3A_806 = vector.shape_cast %get3A_805 : vector<1x16xf32> to vector<16xf32>
        %max3A_807 = arith.maximumf %scan3A_776, %get3A_806 : vector<16xf32>
        %add3A_808 = arith.constant 64 : i32
        %add3A_809 = arith.addi %add3A_808, %scan3A_772 : i32
        %get3A_810 = arith.index_cast %add3A_809 : i32 to index
        %get3A_811 = arith.constant 0 : index
        %get3A_812 = tpu.vector_load %arg6[%get3A_810, %get3A_811] {strides = array<i32>} : memref<128x128xf32, #tpu.memory_space<vmem>>, vector<1x16xf32>,
        %get3A_813 = vector.shape_cast %get3A_812 : vector<1x16xf32> to vector<16xf32>
        %max3A_814 = arith.maximumf %scan3A_777, %get3A_813 : vector<16xf32>
        %add3A_815 = arith.constant 80 : i32
        %add3A_816 = arith.addi %add3A_815, %scan3A_772 : i32
        %get3A_817 = arith.index_cast %add3A_816 : i32 to index
        %get3A_818 = arith.constant 0 : index
        %get3A_819 = tpu.vector_load %arg6[%get3A_817, %get3A_818] {strides = array<i32>} : memref<128x128xf32, #tpu.memory_space<vmem>>, vector<1x16xf32>,
        %get3A_820 = vector.shape_cast %get3A_819 : vector<1x16xf32> to vector<16xf32>
        %max3A_821 = arith.maximumf %scan3A_778, %get3A_820 : vector<16xf32>
        %add3A_822 = arith.constant 96 : i32
        %add3A_823 = arith.addi %add3A_822, %scan3A_772 : i32
        %get3A_824 = arith.index_cast %add3A_823 : i32 to index
        %get3A_825 = arith.constant 0 : index
        %get3A_826 = tpu.vector_load %arg6[%get3A_824, %get3A_825] {strides = array<i32>} : memref<128x128xf32, #tpu.memory_space<vmem>>, vector<1x16xf32>,
        %get3A_827 = vector.shape_cast %get3A_826 : vector<1x16xf32> to vector<16xf32>
        %max3A_828 = arith.maximumf %scan3A_779, %get3A_827 : vector<16xf32>
        %add3A_829 = arith.constant 112 : i32
        %add3A_830 = arith.addi %add3A_829, %scan3A_772 : i32
        %get3A_831 = arith.index_cast %add3A_830 : i32 to index
        %get3A_832 = arith.constant 0 : index
        %get3A_833 = tpu.vector_load %arg6[%get3A_831, %get3A_832] {strides = array<i32>} : memref<128x128xf32, #tpu.memory_space<vmem>>, vector<1x16xf32>,
        %get3A_834 = vector.shape_cast %get3A_833 : vector<1x16xf32> to vector<16xf32>
        %max3A_835 = arith.maximumf %scan3A_780, %get3A_834 : vector<16xf32>
        scf.yield %max3A, %max3A_793, %max3A_800, %max3A_807, %max3A_814, %max3A_821, %max3A_828, %max3A_835 : vector<16xf32>, vector<16xf32>, vector<16xf32>, vector<16xf32>, vector<16xf32>, vector<16xf32>, vector<16xf32>, vector<16xf32>
      }
      %scan3A_63 = arith.constant 15 : i32
      %swap3A = arith.constant 0 : i32
      %swap3A_64 = arith.index_cast %swap3A : i32 to index
      %swap3A_65 = arith.constant 0 : index
      %swap3A_66 = tpu.vector_load %arg7[%swap3A_64, %swap3A_65] {strides = array<i32>} : memref<8x128xf32, #tpu.memory_space<vmem>>, vector<1x16xf32>,
      %swap3A_67 = vector.shape_cast %swap3A_66 : vector<1x16xf32> to vector<16xf32>
      %swap3A_68 = vector.shape_cast %scan3A_62#0 : vector<16xf32> to vector<1x16xf32>
      tpu.vector_store %arg7[%swap3A_64, %swap3A_65], %swap3A_68 {strides = array<i32>} : memref<8x128xf32, #tpu.memory_space<vmem>>, vector<1x16xf32>,
      %swap3A_69 = arith.constant 1 : i32
      %swap3A_70 = arith.index_cast %swap3A_69 : i32 to index
      %swap3A_71 = arith.constant 0 : index
      %swap3A_72 = tpu.vector_load %arg7[%swap3A_70, %swap3A_71] {strides = array<i32>} : memref<8x128xf32, #tpu.memory_space<vmem>>, vector<1x16xf32>,
      %swap3A_73 = vector.shape_cast %swap3A_72 : vector<1x16xf32> to vector<16xf32>
      %swap3A_74 = vector.shape_cast %scan3A_62#1 : vector<16xf32> to vector<1x16xf32>
      tpu.vector_store %arg7[%swap3A_70, %swap3A_71], %swap3A_74 {strides = array<i32>} : memref<8x128xf32, #tpu.memory_space<vmem>>, vector<1x16xf32>,
      %swap3A_75 = arith.constant 2 : i32
      %swap3A_76 = arith.index_cast %swap3A_75 : i32 to index
      %swap3A_77 = arith.constant 0 : index
      %swap3A_78 = tpu.vector_load %arg7[%swap3A_76, %swap3A_77] {strides = array<i32>} : memref<8x128xf32, #tpu.memory_space<vmem>>, vector<1x16xf32>,
      %swap3A_79 = vector.shape_cast %swap3A_78 : vector<1x16xf32> to vector<16xf32>
      %swap3A_80 = vector.shape_cast %scan3A_62#2 : vector<16xf32> to vector<1x16xf32>
      tpu.vector_store %arg7[%swap3A_76, %swap3A_77], %swap3A_80 {strides = array<i32>} : memref<8x128xf32, #tpu.memory_space<vmem>>, vector<1x16xf32>,
      %swap3A_81 = arith.constant 3 : i32
      %swap3A_82 = arith.index_cast %swap3A_81 : i32 to index
      %swap3A_83 = arith.constant 0 : index
      %swap3A_84 = tpu.vector_load %arg7[%swap3A_82, %swap3A_83] {strides = array<i32>} : memref<8x128xf32, #tpu.memory_space<vmem>>, vector<1x16xf32>,
      %swap3A_85 = vector.shape_cast %swap3A_84 : vector<1x16xf32> to vector<16xf32>
      %swap3A_86 = vector.shape_cast %scan3A_62#3 : vector<16xf32> to vector<1x16xf32>
      tpu.vector_store %arg7[%swap3A_82, %swap3A_83], %swap3A_86 {strides = array<i32>} : memref<8x128xf32, #tpu.memory_space<vmem>>, vector<1x16xf32>,
      %swap3A_87 = arith.constant 4 : i32
      %swap3A_88 = arith.index_cast %swap3A_87 : i32 to index
      %swap3A_89 = arith.constant 0 : index
      %swap3A_90 = tpu.vector_load %arg7[%swap3A_88, %swap3A_89] {strides = array<i32>} : memref<8x128xf32, #tpu.memory_space<vmem>>, vector<1x16xf32>,
      %swap3A_91 = vector.shape_cast %swap3A_90 : vector<1x16xf32> to vector<16xf32>
      %swap3A_92 = vector.shape_cast %scan3A_62#4 : vector<16xf32> to vector<1x16xf32>
      tpu.vector_store %arg7[%swap3A_88, %swap3A_89], %swap3A_92 {strides = array<i32>} : memref<8x128xf32, #tpu.memory_space<vmem>>, vector<1x16xf32>,
      %swap3A_93 = arith.constant 5 : i32
      %swap3A_94 = arith.index_cast %swap3A_93 : i32 to index
      %swap3A_95 = arith.constant 0 : index
      %swap3A_96 = tpu.vector_load %arg7[%swap3A_94, %swap3A_95] {strides = array<i32>} : memref<8x128xf32, #tpu.memory_space<vmem>>, vector<1x16xf32>,
      %swap3A_97 = vector.shape_cast %swap3A_96 : vector<1x16xf32> to vector<16xf32>
      %swap3A_98 = vector.shape_cast %scan3A_62#5 : vector<16xf32> to vector<1x16xf32>
      tpu.vector_store %arg7[%swap3A_94, %swap3A_95], %swap3A_98 {strides = array<i32>} : memref<8x128xf32, #tpu.memory_space<vmem>>, vector<1x16xf32>,
      %swap3A_99 = arith.constant 6 : i32
      %swap3A_100 = arith.index_cast %swap3A_99 : i32 to index
      %swap3A_101 = arith.constant 0 : index
      %swap3A_102 = tpu.vector_load %arg7[%swap3A_100, %swap3A_101] {strides = array<i32>} : memref<8x128xf32, #tpu.memory_space<vmem>>, vector<1x16xf32>,
      %swap3A_103 = vector.shape_cast %swap3A_102 : vector<1x16xf32> to vector<16xf32>
      %swap3A_104 = vector.shape_cast %scan3A_62#6 : vector<16xf32> to vector<1x16xf32>
      tpu.vector_store %arg7[%swap3A_100, %swap3A_101], %swap3A_104 {strides = array<i32>} : memref<8x128xf32, #tpu.memory_space<vmem>>, vector<1x16xf32>,
      %swap3A_105 = arith.constant 7 : i32
      %swap3A_106 = arith.index_cast %swap3A_105 : i32 to index
      %swap3A_107 = arith.constant 0 : index
      %swap3A_108 = tpu.vector_load %arg7[%swap3A_106, %swap3A_107] {strides = array<i32>} : memref<8x128xf32, #tpu.memory_space<vmem>>, vector<1x16xf32>,
      %swap3A_109 = vector.shape_cast %swap3A_108 : vector<1x16xf32> to vector<16xf32>
      %swap3A_110 = vector.shape_cast %scan3A_62#7 : vector<16xf32> to vector<1x16xf32>
      tpu.vector_store %arg7[%swap3A_106, %swap3A_107], %swap3A_110 {strides = array<i32>} : memref<8x128xf32, #tpu.memory_space<vmem>>, vector<1x16xf32>,
      %get3A_111 = arith.constant 0 : i32
      %get3A_112 = arith.index_cast %get3A_111 : i32 to index
      %get3A_113 = arith.constant 16 : index
      %get3A_114 = tpu.vector_load %arg6[%get3A_112, %get3A_113] {strides = array<i32>} : memref<128x128xf32, #tpu.memory_space<vmem>>, vector<1x16xf32>,
      %get3A_115 = vector.shape_cast %get3A_114 : vector<1x16xf32> to vector<16xf32>
      %get3A_116 = arith.constant 16 : i32
      %get3A_117 = arith.index_cast %get3A_116 : i32 to index
      %get3A_118 = arith.constant 16 : index
      %get3A_119 = tpu.vector_load %arg6[%get3A_117, %get3A_118] {strides = array<i32>} : memref<128x128xf32, #tpu.memory_space<vmem>>, vector<1x16xf32>,
      %get3A_120 = vector.shape_cast %get3A_119 : vector<1x16xf32> to vector<16xf32>
      %get3A_121 = arith.constant 32 : i32
      %get3A_122 = arith.index_cast %get3A_121 : i32 to index
      %get3A_123 = arith.constant 16 : index
      %get3A_124 = tpu.vector_load %arg6[%get3A_122, %get3A_123] {strides = array<i32>} : memref<128x128xf32, #tpu.memory_space<vmem>>, vector<1x16xf32>,
      %get3A_125 = vector.shape_cast %get3A_124 : vector<1x16xf32> to vector<16xf32>
      %get3A_126 = arith.constant 48 : i32
      %get3A_127 = arith.index_cast %get3A_126 : i32 to index
      %get3A_128 = arith.constant 16 : index
      %get3A_129 = tpu.vector_load %arg6[%get3A_127, %get3A_128] {strides = array<i32>} : memref<128x128xf32, #tpu.memory_space<vmem>>, vector<1x16xf32>,
      %get3A_130 = vector.shape_cast %get3A_129 : vector<1x16xf32> to vector<16xf32>
      %get3A_131 = arith.constant 64 : i32
      %get3A_132 = arith.index_cast %get3A_131 : i32 to index
      %get3A_133 = arith.constant 16 : index
      %get3A_134 = tpu.vector_load %arg6[%get3A_132, %get3A_133] {strides = array<i32>} : memref<128x128xf32, #tpu.memory_space<vmem>>, vector<1x16xf32>,
      %get3A_135 = vector.shape_cast %get3A_134 : vector<1x16xf32> to vector<16xf32>
      %get3A_136 = arith.constant 80 : i32
      %get3A_137 = arith.index_cast %get3A_136 : i32 to index
      %get3A_138 = arith.constant 16 : index
      %get3A_139 = tpu.vector_load %arg6[%get3A_137, %get3A_138] {strides = array<i32>} : memref<128x128xf32, #tpu.memory_space<vmem>>, vector<1x16xf32>,
      %get3A_140 = vector.shape_cast %get3A_139 : vector<1x16xf32> to vector<16xf32>
      %get3A_141 = arith.constant 96 : i32
      %get3A_142 = arith.index_cast %get3A_141 : i32 to index
      %get3A_143 = arith.constant 16 : index
      %get3A_144 = tpu.vector_load %arg6[%get3A_142, %get3A_143] {strides = array<i32>} : memref<128x128xf32, #tpu.memory_space<vmem>>, vector<1x16xf32>,
      %get3A_145 = vector.shape_cast %get3A_144 : vector<1x16xf32> to vector<16xf32>
      %get3A_146 = arith.constant 112 : i32
      %get3A_147 = arith.index_cast %get3A_146 : i32 to index
      %get3A_148 = arith.constant 16 : index
      %get3A_149 = tpu.vector_load %arg6[%get3A_147, %get3A_148] {strides = array<i32>} : memref<128x128xf32, #tpu.memory_space<vmem>>, vector<1x16xf32>,
      %get3A_150 = vector.shape_cast %get3A_149 : vector<1x16xf32> to vector<16xf32>
      %scan3A_151 = arith.constant 1 : i32
      %scan3A_152 = arith.constant 15 : i32
      %scan3A_153 = arith.addi %scan3A_151, %scan3A_152 : i32
      %scan3A_154 = arith.constant 1 : i32
      %scan3A_155:8 = scf.for %scan3A_772 = %scan3A_151 to %scan3A_153 step %scan3A_154 iter_args(%scan3A_773 = %get3A_115, %scan3A_774 = %get3A_120, %scan3A_775 = %get3A_125, %scan3A_776 = %get3A_130, %scan3A_777 = %get3A_135, %scan3A_778 = %get3A_140, %scan3A_779 = %get3A_145, %scan3A_780 = %get3A_150) -> (vector<16xf32>, vector<16xf32>, vector<16xf32>, vector<16xf32>, vector<16xf32>, vector<16xf32>, vector<16xf32>, vector<16xf32>)  : i32 {
        %add3A_781 = arith.constant 0 : i32
        %add3A_782 = arith.addi %add3A_781, %scan3A_772 : i32
        %get3A_783 = arith.index_cast %add3A_782 : i32 to index
        %get3A_784 = arith.constant 16 : index
        %get3A_785 = tpu.vector_load %arg6[%get3A_783, %get3A_784] {strides = array<i32>} : memref<128x128xf32, #tpu.memory_space<vmem>>, vector<1x16xf32>,
        %get3A_786 = vector.shape_cast %get3A_785 : vector<1x16xf32> to vector<16xf32>
        %max3A = arith.maximumf %scan3A_773, %get3A_786 : vector<16xf32>
        %add3A_787 = arith.constant 16 : i32
        %add3A_788 = arith.addi %add3A_787, %scan3A_772 : i32
        %get3A_789 = arith.index_cast %add3A_788 : i32 to index
        %get3A_790 = arith.constant 16 : index
        %get3A_791 = tpu.vector_load %arg6[%get3A_789, %get3A_790] {strides = array<i32>} : memref<128x128xf32, #tpu.memory_space<vmem>>, vector<1x16xf32>,
        %get3A_792 = vector.shape_cast %get3A_791 : vector<1x16xf32> to vector<16xf32>
        %max3A_793 = arith.maximumf %scan3A_774, %get3A_792 : vector<16xf32>
        %add3A_794 = arith.constant 32 : i32
        %add3A_795 = arith.addi %add3A_794, %scan3A_772 : i32
        %get3A_796 = arith.index_cast %add3A_795 : i32 to index
        %get3A_797 = arith.constant 16 : index
        %get3A_798 = tpu.vector_load %arg6[%get3A_796, %get3A_797] {strides = array<i32>} : memref<128x128xf32, #tpu.memory_space<vmem>>, vector<1x16xf32>,
        %get3A_799 = vector.shape_cast %get3A_798 : vector<1x16xf32> to vector<16xf32>
        %max3A_800 = arith.maximumf %scan3A_775, %get3A_799 : vector<16xf32>
        %add3A_801 = arith.constant 48 : i32
        %add3A_802 = arith.addi %add3A_801, %scan3A_772 : i32
        %get3A_803 = arith.index_cast %add3A_802 : i32 to index
        %get3A_804 = arith.constant 16 : index
        %get3A_805 = tpu.vector_load %arg6[%get3A_803, %get3A_804] {strides = array<i32>} : memref<128x128xf32, #tpu.memory_space<vmem>>, vector<1x16xf32>,
        %get3A_806 = vector.shape_cast %get3A_805 : vector<1x16xf32> to vector<16xf32>
        %max3A_807 = arith.maximumf %scan3A_776, %get3A_806 : vector<16xf32>
        %add3A_808 = arith.constant 64 : i32
        %add3A_809 = arith.addi %add3A_808, %scan3A_772 : i32
        %get3A_810 = arith.index_cast %add3A_809 : i32 to index
        %get3A_811 = arith.constant 16 : index
        %get3A_812 = tpu.vector_load %arg6[%get3A_810, %get3A_811] {strides = array<i32>} : memref<128x128xf32, #tpu.memory_space<vmem>>, vector<1x16xf32>,
        %get3A_813 = vector.shape_cast %get3A_812 : vector<1x16xf32> to vector<16xf32>
        %max3A_814 = arith.maximumf %scan3A_777, %get3A_813 : vector<16xf32>
        %add3A_815 = arith.constant 80 : i32
        %add3A_816 = arith.addi %add3A_815, %scan3A_772 : i32
        %get3A_817 = arith.index_cast %add3A_816 : i32 to index
        %get3A_818 = arith.constant 16 : index
        %get3A_819 = tpu.vector_load %arg6[%get3A_817, %get3A_818] {strides = array<i32>} : memref<128x128xf32, #tpu.memory_space<vmem>>, vector<1x16xf32>,
        %get3A_820 = vector.shape_cast %get3A_819 : vector<1x16xf32> to vector<16xf32>
        %max3A_821 = arith.maximumf %scan3A_778, %get3A_820 : vector<16xf32>
        %add3A_822 = arith.constant 96 : i32
        %add3A_823 = arith.addi %add3A_822, %scan3A_772 : i32
        %get3A_824 = arith.index_cast %add3A_823 : i32 to index
        %get3A_825 = arith.constant 16 : index
        %get3A_826 = tpu.vector_load %arg6[%get3A_824, %get3A_825] {strides = array<i32>} : memref<128x128xf32, #tpu.memory_space<vmem>>, vector<1x16xf32>,
        %get3A_827 = vector.shape_cast %get3A_826 : vector<1x16xf32> to vector<16xf32>
        %max3A_828 = arith.maximumf %scan3A_779, %get3A_827 : vector<16xf32>
        %add3A_829 = arith.constant 112 : i32
        %add3A_830 = arith.addi %add3A_829, %scan3A_772 : i32
        %get3A_831 = arith.index_cast %add3A_830 : i32 to index
        %get3A_832 = arith.constant 16 : index
        %get3A_833 = tpu.vector_load %arg6[%get3A_831, %get3A_832] {strides = array<i32>} : memref<128x128xf32, #tpu.memory_space<vmem>>, vector<1x16xf32>,
        %get3A_834 = vector.shape_cast %get3A_833 : vector<1x16xf32> to vector<16xf32>
        %max3A_835 = arith.maximumf %scan3A_780, %get3A_834 : vector<16xf32>
        scf.yield %max3A, %max3A_793, %max3A_800, %max3A_807, %max3A_814, %max3A_821, %max3A_828, %max3A_835 : vector<16xf32>, vector<16xf32>, vector<16xf32>, vector<16xf32>, vector<16xf32>, vector<16xf32>, vector<16xf32>, vector<16xf32>
      }
      %scan3A_156 = arith.constant 15 : i32
      %swap3A_157 = arith.constant 0 : i32
      %swap3A_158 = arith.index_cast %swap3A_157 : i32 to index
      %swap3A_159 = arith.constant 16 : index
      %swap3A_160 = tpu.vector_load %arg7[%swap3A_158, %swap3A_159] {strides = array<i32>} : memref<8x128xf32, #tpu.memory_space<vmem>>, vector<1x16xf32>,
      %swap3A_161 = vector.shape_cast %swap3A_160 : vector<1x16xf32> to vector<16xf32>
      %swap3A_162 = vector.shape_cast %scan3A_155#0 : vector<16xf32> to vector<1x16xf32>
      tpu.vector_store %arg7[%swap3A_158, %swap3A_159], %swap3A_162 {strides = array<i32>} : memref<8x128xf32, #tpu.memory_space<vmem>>, vector<1x16xf32>,
      %swap3A_163 = arith.constant 1 : i32
      %swap3A_164 = arith.index_cast %swap3A_163 : i32 to index
      %swap3A_165 = arith.constant 16 : index
      %swap3A_166 = tpu.vector_load %arg7[%swap3A_164, %swap3A_165] {strides = array<i32>} : memref<8x128xf32, #tpu.memory_space<vmem>>, vector<1x16xf32>,
      %swap3A_167 = vector.shape_cast %swap3A_166 : vector<1x16xf32> to vector<16xf32>
      %swap3A_168 = vector.shape_cast %scan3A_155#1 : vector<16xf32> to vector<1x16xf32>
      tpu.vector_store %arg7[%swap3A_164, %swap3A_165], %swap3A_168 {strides = array<i32>} : memref<8x128xf32, #tpu.memory_space<vmem>>, vector<1x16xf32>,
      %swap3A_169 = arith.constant 2 : i32
      %swap3A_170 = arith.index_cast %swap3A_169 : i32 to index
      %swap3A_171 = arith.constant 16 : index
      %swap3A_172 = tpu.vector_load %arg7[%swap3A_170, %swap3A_171] {strides = array<i32>} : memref<8x128xf32, #tpu.memory_space<vmem>>, vector<1x16xf32>,
      %swap3A_173 = vector.shape_cast %swap3A_172 : vector<1x16xf32> to vector<16xf32>
      %swap3A_174 = vector.shape_cast %scan3A_155#2 : vector<16xf32> to vector<1x16xf32>
      tpu.vector_store %arg7[%swap3A_170, %swap3A_171], %swap3A_174 {strides = array<i32>} : memref<8x128xf32, #tpu.memory_space<vmem>>, vector<1x16xf32>,
      %swap3A_175 = arith.constant 3 : i32
      %swap3A_176 = arith.index_cast %swap3A_175 : i32 to index
      %swap3A_177 = arith.constant 16 : index
      %swap3A_178 = tpu.vector_load %arg7[%swap3A_176, %swap3A_177] {strides = array<i32>} : memref<8x128xf32, #tpu.memory_space<vmem>>, vector<1x16xf32>,
      %swap3A_179 = vector.shape_cast %swap3A_178 : vector<1x16xf32> to vector<16xf32>
      %swap3A_180 = vector.shape_cast %scan3A_155#3 : vector<16xf32> to vector<1x16xf32>
      tpu.vector_store %arg7[%swap3A_176, %swap3A_177], %swap3A_180 {strides = array<i32>} : memref<8x128xf32, #tpu.memory_space<vmem>>, vector<1x16xf32>,
      %swap3A_181 = arith.constant 4 : i32
      %swap3A_182 = arith.index_cast %swap3A_181 : i32 to index
      %swap3A_183 = arith.constant 16 : index
      %swap3A_184 = tpu.vector_load %arg7[%swap3A_182, %swap3A_183] {strides = array<i32>} : memref<8x128xf32, #tpu.memory_space<vmem>>, vector<1x16xf32>,
      %swap3A_185 = vector.shape_cast %swap3A_184 : vector<1x16xf32> to vector<16xf32>
      %swap3A_186 = vector.shape_cast %scan3A_155#4 : vector<16xf32> to vector<1x16xf32>
      tpu.vector_store %arg7[%swap3A_182, %swap3A_183], %swap3A_186 {strides = array<i32>} : memref<8x128xf32, #tpu.memory_space<vmem>>, vector<1x16xf32>,
      %swap3A_187 = arith.constant 5 : i32
      %swap3A_188 = arith.index_cast %swap3A_187 : i32 to index
      %swap3A_189 = arith.constant 16 : index
      %swap3A_190 = tpu.vector_load %arg7[%swap3A_188, %swap3A_189] {strides = array<i32>} : memref<8x128xf32, #tpu.memory_space<vmem>>, vector<1x16xf32>,
      %swap3A_191 = vector.shape_cast %swap3A_190 : vector<1x16xf32> to vector<16xf32>
      %swap3A_192 = vector.shape_cast %scan3A_155#5 : vector<16xf32> to vector<1x16xf32>
      tpu.vector_store %arg7[%swap3A_188, %swap3A_189], %swap3A_192 {strides = array<i32>} : memref<8x128xf32, #tpu.memory_space<vmem>>, vector<1x16xf32>,
      %swap3A_193 = arith.constant 6 : i32
      %swap3A_194 = arith.index_cast %swap3A_193 : i32 to index
      %swap3A_195 = arith.constant 16 : index
      %swap3A_196 = tpu.vector_load %arg7[%swap3A_194, %swap3A_195] {strides = array<i32>} : memref<8x128xf32, #tpu.memory_space<vmem>>, vector<1x16xf32>,
      %swap3A_197 = vector.shape_cast %swap3A_196 : vector<1x16xf32> to vector<16xf32>
      %swap3A_198 = vector.shape_cast %scan3A_155#6 : vector<16xf32> to vector<1x16xf32>
      tpu.vector_store %arg7[%swap3A_194, %swap3A_195], %swap3A_198 {strides = array<i32>} : memref<8x128xf32, #tpu.memory_space<vmem>>, vector<1x16xf32>,
      %swap3A_199 = arith.constant 7 : i32
      %swap3A_200 = arith.index_cast %swap3A_199 : i32 to index
      %swap3A_201 = arith.constant 16 : index
      %swap3A_202 = tpu.vector_load %arg7[%swap3A_200, %swap3A_201] {strides = array<i32>} : memref<8x128xf32, #tpu.memory_space<vmem>>, vector<1x16xf32>,
      %swap3A_203 = vector.shape_cast %swap3A_202 : vector<1x16xf32> to vector<16xf32>
      %swap3A_204 = vector.shape_cast %scan3A_155#7 : vector<16xf32> to vector<1x16xf32>
      tpu.vector_store %arg7[%swap3A_200, %swap3A_201], %swap3A_204 {strides = array<i32>} : memref<8x128xf32, #tpu.memory_space<vmem>>, vector<1x16xf32>,
      %get3A_205 = arith.constant 0 : i32
      %get3A_206 = arith.index_cast %get3A_205 : i32 to index
      %get3A_207 = arith.constant 32 : index
      %get3A_208 = tpu.vector_load %arg6[%get3A_206, %get3A_207] {strides = array<i32>} : memref<128x128xf32, #tpu.memory_space<vmem>>, vector<1x16xf32>,
      %get3A_209 = vector.shape_cast %get3A_208 : vector<1x16xf32> to vector<16xf32>
      %get3A_210 = arith.constant 16 : i32
      %get3A_211 = arith.index_cast %get3A_210 : i32 to index
      %get3A_212 = arith.constant 32 : index
      %get3A_213 = tpu.vector_load %arg6[%get3A_211, %get3A_212] {strides = array<i32>} : memref<128x128xf32, #tpu.memory_space<vmem>>, vector<1x16xf32>,
      %get3A_214 = vector.shape_cast %get3A_213 : vector<1x16xf32> to vector<16xf32>
      %get3A_215 = arith.constant 32 : i32
      %get3A_216 = arith.index_cast %get3A_215 : i32 to index
      %get3A_217 = arith.constant 32 : index
      %get3A_218 = tpu.vector_load %arg6[%get3A_216, %get3A_217] {strides = array<i32>} : memref<128x128xf32, #tpu.memory_space<vmem>>, vector<1x16xf32>,
      %get3A_219 = vector.shape_cast %get3A_218 : vector<1x16xf32> to vector<16xf32>
      %get3A_220 = arith.constant 48 : i32
      %get3A_221 = arith.index_cast %get3A_220 : i32 to index
      %get3A_222 = arith.constant 32 : index
      %get3A_223 = tpu.vector_load %arg6[%get3A_221, %get3A_222] {strides = array<i32>} : memref<128x128xf32, #tpu.memory_space<vmem>>, vector<1x16xf32>,
      %get3A_224 = vector.shape_cast %get3A_223 : vector<1x16xf32> to vector<16xf32>
      %get3A_225 = arith.constant 64 : i32
      %get3A_226 = arith.index_cast %get3A_225 : i32 to index
      %get3A_227 = arith.constant 32 : index
      %get3A_228 = tpu.vector_load %arg6[%get3A_226, %get3A_227] {strides = array<i32>} : memref<128x128xf32, #tpu.memory_space<vmem>>, vector<1x16xf32>,
      %get3A_229 = vector.shape_cast %get3A_228 : vector<1x16xf32> to vector<16xf32>
      %get3A_230 = arith.constant 80 : i32
      %get3A_231 = arith.index_cast %get3A_230 : i32 to index
      %get3A_232 = arith.constant 32 : index
      %get3A_233 = tpu.vector_load %arg6[%get3A_231, %get3A_232] {strides = array<i32>} : memref<128x128xf32, #tpu.memory_space<vmem>>, vector<1x16xf32>,
      %get3A_234 = vector.shape_cast %get3A_233 : vector<1x16xf32> to vector<16xf32>
      %get3A_235 = arith.constant 96 : i32
      %get3A_236 = arith.index_cast %get3A_235 : i32 to index
      %get3A_237 = arith.constant 32 : index
      %get3A_238 = tpu.vector_load %arg6[%get3A_236, %get3A_237] {strides = array<i32>} : memref<128x128xf32, #tpu.memory_space<vmem>>, vector<1x16xf32>,
      %get3A_239 = vector.shape_cast %get3A_238 : vector<1x16xf32> to vector<16xf32>
      %get3A_240 = arith.constant 112 : i32
      %get3A_241 = arith.index_cast %get3A_240 : i32 to index
      %get3A_242 = arith.constant 32 : index
      %get3A_243 = tpu.vector_load %arg6[%get3A_241, %get3A_242] {strides = array<i32>} : memref<128x128xf32, #tpu.memory_space<vmem>>, vector<1x16xf32>,
      %get3A_244 = vector.shape_cast %get3A_243 : vector<1x16xf32> to vector<16xf32>
      %scan3A_245 = arith.constant 1 : i32
      %scan3A_246 = arith.constant 15 : i32
      %scan3A_247 = arith.addi %scan3A_245, %scan3A_246 : i32
      %scan3A_248 = arith.constant 1 : i32
      %scan3A_249:8 = scf.for %scan3A_772 = %scan3A_245 to %scan3A_247 step %scan3A_248 iter_args(%scan3A_773 = %get3A_209, %scan3A_774 = %get3A_214, %scan3A_775 = %get3A_219, %scan3A_776 = %get3A_224, %scan3A_777 = %get3A_229, %scan3A_778 = %get3A_234, %scan3A_779 = %get3A_239, %scan3A_780 = %get3A_244) -> (vector<16xf32>, vector<16xf32>, vector<16xf32>, vector<16xf32>, vector<16xf32>, vector<16xf32>, vector<16xf32>, vector<16xf32>)  : i32 {
        %add3A_781 = arith.constant 0 : i32
        %add3A_782 = arith.addi %add3A_781, %scan3A_772 : i32
        %get3A_783 = arith.index_cast %add3A_782 : i32 to index
        %get3A_784 = arith.constant 32 : index
        %get3A_785 = tpu.vector_load %arg6[%get3A_783, %get3A_784] {strides = array<i32>} : memref<128x128xf32, #tpu.memory_space<vmem>>, vector<1x16xf32>,
        %get3A_786 = vector.shape_cast %get3A_785 : vector<1x16xf32> to vector<16xf32>
        %max3A = arith.maximumf %scan3A_773, %get3A_786 : vector<16xf32>
        %add3A_787 = arith.constant 16 : i32
        %add3A_788 = arith.addi %add3A_787, %scan3A_772 : i32
        %get3A_789 = arith.index_cast %add3A_788 : i32 to index
        %get3A_790 = arith.constant 32 : index
        %get3A_791 = tpu.vector_load %arg6[%get3A_789, %get3A_790] {strides = array<i32>} : memref<128x128xf32, #tpu.memory_space<vmem>>, vector<1x16xf32>,
        %get3A_792 = vector.shape_cast %get3A_791 : vector<1x16xf32> to vector<16xf32>
        %max3A_793 = arith.maximumf %scan3A_774, %get3A_792 : vector<16xf32>
        %add3A_794 = arith.constant 32 : i32
        %add3A_795 = arith.addi %add3A_794, %scan3A_772 : i32
        %get3A_796 = arith.index_cast %add3A_795 : i32 to index
        %get3A_797 = arith.constant 32 : index
        %get3A_798 = tpu.vector_load %arg6[%get3A_796, %get3A_797] {strides = array<i32>} : memref<128x128xf32, #tpu.memory_space<vmem>>, vector<1x16xf32>,
        %get3A_799 = vector.shape_cast %get3A_798 : vector<1x16xf32> to vector<16xf32>
        %max3A_800 = arith.maximumf %scan3A_775, %get3A_799 : vector<16xf32>
        %add3A_801 = arith.constant 48 : i32
        %add3A_802 = arith.addi %add3A_801, %scan3A_772 : i32
        %get3A_803 = arith.index_cast %add3A_802 : i32 to index
        %get3A_804 = arith.constant 32 : index
        %get3A_805 = tpu.vector_load %arg6[%get3A_803, %get3A_804] {strides = array<i32>} : memref<128x128xf32, #tpu.memory_space<vmem>>, vector<1x16xf32>,
        %get3A_806 = vector.shape_cast %get3A_805 : vector<1x16xf32> to vector<16xf32>
        %max3A_807 = arith.maximumf %scan3A_776, %get3A_806 : vector<16xf32>
        %add3A_808 = arith.constant 64 : i32
        %add3A_809 = arith.addi %add3A_808, %scan3A_772 : i32
        %get3A_810 = arith.index_cast %add3A_809 : i32 to index
        %get3A_811 = arith.constant 32 : index
        %get3A_812 = tpu.vector_load %arg6[%get3A_810, %get3A_811] {strides = array<i32>} : memref<128x128xf32, #tpu.memory_space<vmem>>, vector<1x16xf32>,
        %get3A_813 = vector.shape_cast %get3A_812 : vector<1x16xf32> to vector<16xf32>
        %max3A_814 = arith.maximumf %scan3A_777, %get3A_813 : vector<16xf32>
        %add3A_815 = arith.constant 80 : i32
        %add3A_816 = arith.addi %add3A_815, %scan3A_772 : i32
        %get3A_817 = arith.index_cast %add3A_816 : i32 to index
        %get3A_818 = arith.constant 32 : index
        %get3A_819 = tpu.vector_load %arg6[%get3A_817, %get3A_818] {strides = array<i32>} : memref<128x128xf32, #tpu.memory_space<vmem>>, vector<1x16xf32>,
        %get3A_820 = vector.shape_cast %get3A_819 : vector<1x16xf32> to vector<16xf32>
        %max3A_821 = arith.maximumf %scan3A_778, %get3A_820 : vector<16xf32>
        %add3A_822 = arith.constant 96 : i32
        %add3A_823 = arith.addi %add3A_822, %scan3A_772 : i32
        %get3A_824 = arith.index_cast %add3A_823 : i32 to index
        %get3A_825 = arith.constant 32 : index
        %get3A_826 = tpu.vector_load %arg6[%get3A_824, %get3A_825] {strides = array<i32>} : memref<128x128xf32, #tpu.memory_space<vmem>>, vector<1x16xf32>,
        %get3A_827 = vector.shape_cast %get3A_826 : vector<1x16xf32> to vector<16xf32>
        %max3A_828 = arith.maximumf %scan3A_779, %get3A_827 : vector<16xf32>
        %add3A_829 = arith.constant 112 : i32
        %add3A_830 = arith.addi %add3A_829, %scan3A_772 : i32
        %get3A_831 = arith.index_cast %add3A_830 : i32 to index
        %get3A_832 = arith.constant 32 : index
        %get3A_833 = tpu.vector_load %arg6[%get3A_831, %get3A_832] {strides = array<i32>} : memref<128x128xf32, #tpu.memory_space<vmem>>, vector<1x16xf32>,
        %get3A_834 = vector.shape_cast %get3A_833 : vector<1x16xf32> to vector<16xf32>
        %max3A_835 = arith.maximumf %scan3A_780, %get3A_834 : vector<16xf32>
        scf.yield %max3A, %max3A_793, %max3A_800, %max3A_807, %max3A_814, %max3A_821, %max3A_828, %max3A_835 : vector<16xf32>, vector<16xf32>, vector<16xf32>, vector<16xf32>, vector<16xf32>, vector<16xf32>, vector<16xf32>, vector<16xf32>
      }
      %scan3A_250 = arith.constant 15 : i32
      %swap3A_251 = arith.constant 0 : i32
      %swap3A_252 = arith.index_cast %swap3A_251 : i32 to index
      %swap3A_253 = arith.constant 32 : index
      %swap3A_254 = tpu.vector_load %arg7[%swap3A_252, %swap3A_253] {strides = array<i32>} : memref<8x128xf32, #tpu.memory_space<vmem>>, vector<1x16xf32>,
      %swap3A_255 = vector.shape_cast %swap3A_254 : vector<1x16xf32> to vector<16xf32>
      %swap3A_256 = vector.shape_cast %scan3A_249#0 : vector<16xf32> to vector<1x16xf32>
      tpu.vector_store %arg7[%swap3A_252, %swap3A_253], %swap3A_256 {strides = array<i32>} : memref<8x128xf32, #tpu.memory_space<vmem>>, vector<1x16xf32>,
      %swap3A_257 = arith.constant 1 : i32
      %swap3A_258 = arith.index_cast %swap3A_257 : i32 to index
      %swap3A_259 = arith.constant 32 : index
      %swap3A_260 = tpu.vector_load %arg7[%swap3A_258, %swap3A_259] {strides = array<i32>} : memref<8x128xf32, #tpu.memory_space<vmem>>, vector<1x16xf32>,
      %swap3A_261 = vector.shape_cast %swap3A_260 : vector<1x16xf32> to vector<16xf32>
      %swap3A_262 = vector.shape_cast %scan3A_249#1 : vector<16xf32> to vector<1x16xf32>
      tpu.vector_store %arg7[%swap3A_258, %swap3A_259], %swap3A_262 {strides = array<i32>} : memref<8x128xf32, #tpu.memory_space<vmem>>, vector<1x16xf32>,
      %swap3A_263 = arith.constant 2 : i32
      %swap3A_264 = arith.index_cast %swap3A_263 : i32 to index
      %swap3A_265 = arith.constant 32 : index
      %swap3A_266 = tpu.vector_load %arg7[%swap3A_264, %swap3A_265] {strides = array<i32>} : memref<8x128xf32, #tpu.memory_space<vmem>>, vector<1x16xf32>,
      %swap3A_267 = vector.shape_cast %swap3A_266 : vector<1x16xf32> to vector<16xf32>
      %swap3A_268 = vector.shape_cast %scan3A_249#2 : vector<16xf32> to vector<1x16xf32>
      tpu.vector_store %arg7[%swap3A_264, %swap3A_265], %swap3A_268 {strides = array<i32>} : memref<8x128xf32, #tpu.memory_space<vmem>>, vector<1x16xf32>,
      %swap3A_269 = arith.constant 3 : i32
      %swap3A_270 = arith.index_cast %swap3A_269 : i32 to index
      %swap3A_271 = arith.constant 32 : index
      %swap3A_272 = tpu.vector_load %arg7[%swap3A_270, %swap3A_271] {strides = array<i32>} : memref<8x128xf32, #tpu.memory_space<vmem>>, vector<1x16xf32>,
      %swap3A_273 = vector.shape_cast %swap3A_272 : vector<1x16xf32> to vector<16xf32>
      %swap3A_274 = vector.shape_cast %scan3A_249#3 : vector<16xf32> to vector<1x16xf32>
      tpu.vector_store %arg7[%swap3A_270, %swap3A_271], %swap3A_274 {strides = array<i32>} : memref<8x128xf32, #tpu.memory_space<vmem>>, vector<1x16xf32>,
      %swap3A_275 = arith.constant 4 : i32
      %swap3A_276 = arith.index_cast %swap3A_275 : i32 to index
      %swap3A_277 = arith.constant 32 : index
      %swap3A_278 = tpu.vector_load %arg7[%swap3A_276, %swap3A_277] {strides = array<i32>} : memref<8x128xf32, #tpu.memory_space<vmem>>, vector<1x16xf32>,
      %swap3A_279 = vector.shape_cast %swap3A_278 : vector<1x16xf32> to vector<16xf32>
      %swap3A_280 = vector.shape_cast %scan3A_249#4 : vector<16xf32> to vector<1x16xf32>
      tpu.vector_store %arg7[%swap3A_276, %swap3A_277], %swap3A_280 {strides = array<i32>} : memref<8x128xf32, #tpu.memory_space<vmem>>, vector<1x16xf32>,
      %swap3A_281 = arith.constant 5 : i32
      %swap3A_282 = arith.index_cast %swap3A_281 : i32 to index
      %swap3A_283 = arith.constant 32 : index
      %swap3A_284 = tpu.vector_load %arg7[%swap3A_282, %swap3A_283] {strides = array<i32>} : memref<8x128xf32, #tpu.memory_space<vmem>>, vector<1x16xf32>,
      %swap3A_285 = vector.shape_cast %swap3A_284 : vector<1x16xf32> to vector<16xf32>
      %swap3A_286 = vector.shape_cast %scan3A_249#5 : vector<16xf32> to vector<1x16xf32>
      tpu.vector_store %arg7[%swap3A_282, %swap3A_283], %swap3A_286 {strides = array<i32>} : memref<8x128xf32, #tpu.memory_space<vmem>>, vector<1x16xf32>,
      %swap3A_287 = arith.constant 6 : i32
      %swap3A_288 = arith.index_cast %swap3A_287 : i32 to index
      %swap3A_289 = arith.constant 32 : index
      %swap3A_290 = tpu.vector_load %arg7[%swap3A_288, %swap3A_289] {strides = array<i32>} : memref<8x128xf32, #tpu.memory_space<vmem>>, vector<1x16xf32>,
      %swap3A_291 = vector.shape_cast %swap3A_290 : vector<1x16xf32> to vector<16xf32>
      %swap3A_292 = vector.shape_cast %scan3A_249#6 : vector<16xf32> to vector<1x16xf32>
      tpu.vector_store %arg7[%swap3A_288, %swap3A_289], %swap3A_292 {strides = array<i32>} : memref<8x128xf32, #tpu.memory_space<vmem>>, vector<1x16xf32>,
      %swap3A_293 = arith.constant 7 : i32
      %swap3A_294 = arith.index_cast %swap3A_293 : i32 to index
      %swap3A_295 = arith.constant 32 : index
      %swap3A_296 = tpu.vector_load %arg7[%swap3A_294, %swap3A_295] {strides = array<i32>} : memref<8x128xf32, #tpu.memory_space<vmem>>, vector<1x16xf32>,
      %swap3A_297 = vector.shape_cast %swap3A_296 : vector<1x16xf32> to vector<16xf32>
      %swap3A_298 = vector.shape_cast %scan3A_249#7 : vector<16xf32> to vector<1x16xf32>
      tpu.vector_store %arg7[%swap3A_294, %swap3A_295], %swap3A_298 {strides = array<i32>} : memref<8x128xf32, #tpu.memory_space<vmem>>, vector<1x16xf32>,
      %get3A_299 = arith.constant 0 : i32
      %get3A_300 = arith.index_cast %get3A_299 : i32 to index
      %get3A_301 = arith.constant 48 : index
      %get3A_302 = tpu.vector_load %arg6[%get3A_300, %get3A_301] {strides = array<i32>} : memref<128x128xf32, #tpu.memory_space<vmem>>, vector<1x16xf32>,
      %get3A_303 = vector.shape_cast %get3A_302 : vector<1x16xf32> to vector<16xf32>
      %get3A_304 = arith.constant 16 : i32
      %get3A_305 = arith.index_cast %get3A_304 : i32 to index
      %get3A_306 = arith.constant 48 : index
      %get3A_307 = tpu.vector_load %arg6[%get3A_305, %get3A_306] {strides = array<i32>} : memref<128x128xf32, #tpu.memory_space<vmem>>, vector<1x16xf32>,
      %get3A_308 = vector.shape_cast %get3A_307 : vector<1x16xf32> to vector<16xf32>
      %get3A_309 = arith.constant 32 : i32
      %get3A_310 = arith.index_cast %get3A_309 : i32 to index
      %get3A_311 = arith.constant 48 : index
      %get3A_312 = tpu.vector_load %arg6[%get3A_310, %get3A_311] {strides = array<i32>} : memref<128x128xf32, #tpu.memory_space<vmem>>, vector<1x16xf32>,
      %get3A_313 = vector.shape_cast %get3A_312 : vector<1x16xf32> to vector<16xf32>
      %get3A_314 = arith.constant 48 : i32
      %get3A_315 = arith.index_cast %get3A_314 : i32 to index
      %get3A_316 = arith.constant 48 : index
      %get3A_317 = tpu.vector_load %arg6[%get3A_315, %get3A_316] {strides = array<i32>} : memref<128x128xf32, #tpu.memory_space<vmem>>, vector<1x16xf32>,
      %get3A_318 = vector.shape_cast %get3A_317 : vector<1x16xf32> to vector<16xf32>
      %get3A_319 = arith.constant 64 : i32
      %get3A_320 = arith.index_cast %get3A_319 : i32 to index
      %get3A_321 = arith.constant 48 : index
      %get3A_322 = tpu.vector_load %arg6[%get3A_320, %get3A_321] {strides = array<i32>} : memref<128x128xf32, #tpu.memory_space<vmem>>, vector<1x16xf32>,
      %get3A_323 = vector.shape_cast %get3A_322 : vector<1x16xf32> to vector<16xf32>
      %get3A_324 = arith.constant 80 : i32
      %get3A_325 = arith.index_cast %get3A_324 : i32 to index
      %get3A_326 = arith.constant 48 : index
      %get3A_327 = tpu.vector_load %arg6[%get3A_325, %get3A_326] {strides = array<i32>} : memref<128x128xf32, #tpu.memory_space<vmem>>, vector<1x16xf32>,
      %get3A_328 = vector.shape_cast %get3A_327 : vector<1x16xf32> to vector<16xf32>
      %get3A_329 = arith.constant 96 : i32
      %get3A_330 = arith.index_cast %get3A_329 : i32 to index
      %get3A_331 = arith.constant 48 : index
      %get3A_332 = tpu.vector_load %arg6[%get3A_330, %get3A_331] {strides = array<i32>} : memref<128x128xf32, #tpu.memory_space<vmem>>, vector<1x16xf32>,
      %get3A_333 = vector.shape_cast %get3A_332 : vector<1x16xf32> to vector<16xf32>
      %get3A_334 = arith.constant 112 : i32
      %get3A_335 = arith.index_cast %get3A_334 : i32 to index
      %get3A_336 = arith.constant 48 : index
      %get3A_337 = tpu.vector_load %arg6[%get3A_335, %get3A_336] {strides = array<i32>} : memref<128x128xf32, #tpu.memory_space<vmem>>, vector<1x16xf32>,
      %get3A_338 = vector.shape_cast %get3A_337 : vector<1x16xf32> to vector<16xf32>
      %scan3A_339 = arith.constant 1 : i32
      %scan3A_340 = arith.constant 15 : i32
      %scan3A_341 = arith.addi %scan3A_339, %scan3A_340 : i32
      %scan3A_342 = arith.constant 1 : i32
      %scan3A_343:8 = scf.for %scan3A_772 = %scan3A_339 to %scan3A_341 step %scan3A_342 iter_args(%scan3A_773 = %get3A_303, %scan3A_774 = %get3A_308, %scan3A_775 = %get3A_313, %scan3A_776 = %get3A_318, %scan3A_777 = %get3A_323, %scan3A_778 = %get3A_328, %scan3A_779 = %get3A_333, %scan3A_780 = %get3A_338) -> (vector<16xf32>, vector<16xf32>, vector<16xf32>, vector<16xf32>, vector<16xf32>, vector<16xf32>, vector<16xf32>, vector<16xf32>)  : i32 {
        %add3A_781 = arith.constant 0 : i32
        %add3A_782 = arith.addi %add3A_781, %scan3A_772 : i32
        %get3A_783 = arith.index_cast %add3A_782 : i32 to index
        %get3A_784 = arith.constant 48 : index
        %get3A_785 = tpu.vector_load %arg6[%get3A_783, %get3A_784] {strides = array<i32>} : memref<128x128xf32, #tpu.memory_space<vmem>>, vector<1x16xf32>,
        %get3A_786 = vector.shape_cast %get3A_785 : vector<1x16xf32> to vector<16xf32>
        %max3A = arith.maximumf %scan3A_773, %get3A_786 : vector<16xf32>
        %add3A_787 = arith.constant 16 : i32
        %add3A_788 = arith.addi %add3A_787, %scan3A_772 : i32
        %get3A_789 = arith.index_cast %add3A_788 : i32 to index
        %get3A_790 = arith.constant 48 : index
        %get3A_791 = tpu.vector_load %arg6[%get3A_789, %get3A_790] {strides = array<i32>} : memref<128x128xf32, #tpu.memory_space<vmem>>, vector<1x16xf32>,
        %get3A_792 = vector.shape_cast %get3A_791 : vector<1x16xf32> to vector<16xf32>
        %max3A_793 = arith.maximumf %scan3A_774, %get3A_792 : vector<16xf32>
        %add3A_794 = arith.constant 32 : i32
        %add3A_795 = arith.addi %add3A_794, %scan3A_772 : i32
        %get3A_796 = arith.index_cast %add3A_795 : i32 to index
        %get3A_797 = arith.constant 48 : index
        %get3A_798 = tpu.vector_load %arg6[%get3A_796, %get3A_797] {strides = array<i32>} : memref<128x128xf32, #tpu.memory_space<vmem>>, vector<1x16xf32>,
        %get3A_799 = vector.shape_cast %get3A_798 : vector<1x16xf32> to vector<16xf32>
        %max3A_800 = arith.maximumf %scan3A_775, %get3A_799 : vector<16xf32>
        %add3A_801 = arith.constant 48 : i32
        %add3A_802 = arith.addi %add3A_801, %scan3A_772 : i32
        %get3A_803 = arith.index_cast %add3A_802 : i32 to index
        %get3A_804 = arith.constant 48 : index
        %get3A_805 = tpu.vector_load %arg6[%get3A_803, %get3A_804] {strides = array<i32>} : memref<128x128xf32, #tpu.memory_space<vmem>>, vector<1x16xf32>,
        %get3A_806 = vector.shape_cast %get3A_805 : vector<1x16xf32> to vector<16xf32>
        %max3A_807 = arith.maximumf %scan3A_776, %get3A_806 : vector<16xf32>
        %add3A_808 = arith.constant 64 : i32
        %add3A_809 = arith.addi %add3A_808, %scan3A_772 : i32
        %get3A_810 = arith.index_cast %add3A_809 : i32 to index
        %get3A_811 = arith.constant 48 : index
        %get3A_812 = tpu.vector_load %arg6[%get3A_810, %get3A_811] {strides = array<i32>} : memref<128x128xf32, #tpu.memory_space<vmem>>, vector<1x16xf32>,
        %get3A_813 = vector.shape_cast %get3A_812 : vector<1x16xf32> to vector<16xf32>
        %max3A_814 = arith.maximumf %scan3A_777, %get3A_813 : vector<16xf32>
        %add3A_815 = arith.constant 80 : i32
        %add3A_816 = arith.addi %add3A_815, %scan3A_772 : i32
        %get3A_817 = arith.index_cast %add3A_816 : i32 to index
        %get3A_818 = arith.constant 48 : index
        %get3A_819 = tpu.vector_load %arg6[%get3A_817, %get3A_818] {strides = array<i32>} : memref<128x128xf32, #tpu.memory_space<vmem>>, vector<1x16xf32>,
        %get3A_820 = vector.shape_cast %get3A_819 : vector<1x16xf32> to vector<16xf32>
        %max3A_821 = arith.maximumf %scan3A_778, %get3A_820 : vector<16xf32>
        %add3A_822 = arith.constant 96 : i32
        %add3A_823 = arith.addi %add3A_822, %scan3A_772 : i32
        %get3A_824 = arith.index_cast %add3A_823 : i32 to index
        %get3A_825 = arith.constant 48 : index
        %get3A_826 = tpu.vector_load %arg6[%get3A_824, %get3A_825] {strides = array<i32>} : memref<128x128xf32, #tpu.memory_space<vmem>>, vector<1x16xf32>,
        %get3A_827 = vector.shape_cast %get3A_826 : vector<1x16xf32> to vector<16xf32>
        %max3A_828 = arith.maximumf %scan3A_779, %get3A_827 : vector<16xf32>
        %add3A_829 = arith.constant 112 : i32
        %add3A_830 = arith.addi %add3A_829, %scan3A_772 : i32
        %get3A_831 = arith.index_cast %add3A_830 : i32 to index
        %get3A_832 = arith.constant 48 : index
        %get3A_833 = tpu.vector_load %arg6[%get3A_831, %get3A_832] {strides = array<i32>} : memref<128x128xf32, #tpu.memory_space<vmem>>, vector<1x16xf32>,
        %get3A_834 = vector.shape_cast %get3A_833 : vector<1x16xf32> to vector<16xf32>
        %max3A_835 = arith.maximumf %scan3A_780, %get3A_834 : vector<16xf32>
        scf.yield %max3A, %max3A_793, %max3A_800, %max3A_807, %max3A_814, %max3A_821, %max3A_828, %max3A_835 : vector<16xf32>, vector<16xf32>, vector<16xf32>, vector<16xf32>, vector<16xf32>, vector<16xf32>, vector<16xf32>, vector<16xf32>
      }
      %scan3A_344 = arith.constant 15 : i32
      %swap3A_345 = arith.constant 0 : i32
      %swap3A_346 = arith.index_cast %swap3A_345 : i32 to index
      %swap3A_347 = arith.constant 48 : index
      %swap3A_348 = tpu.vector_load %arg7[%swap3A_346, %swap3A_347] {strides = array<i32>} : memref<8x128xf32, #tpu.memory_space<vmem>>, vector<1x16xf32>,
      %swap3A_349 = vector.shape_cast %swap3A_348 : vector<1x16xf32> to vector<16xf32>
      %swap3A_350 = vector.shape_cast %scan3A_343#0 : vector<16xf32> to vector<1x16xf32>
      tpu.vector_store %arg7[%swap3A_346, %swap3A_347], %swap3A_350 {strides = array<i32>} : memref<8x128xf32, #tpu.memory_space<vmem>>, vector<1x16xf32>,
      %swap3A_351 = arith.constant 1 : i32
      %swap3A_352 = arith.index_cast %swap3A_351 : i32 to index
      %swap3A_353 = arith.constant 48 : index
      %swap3A_354 = tpu.vector_load %arg7[%swap3A_352, %swap3A_353] {strides = array<i32>} : memref<8x128xf32, #tpu.memory_space<vmem>>, vector<1x16xf32>,
      %swap3A_355 = vector.shape_cast %swap3A_354 : vector<1x16xf32> to vector<16xf32>
      %swap3A_356 = vector.shape_cast %scan3A_343#1 : vector<16xf32> to vector<1x16xf32>
      tpu.vector_store %arg7[%swap3A_352, %swap3A_353], %swap3A_356 {strides = array<i32>} : memref<8x128xf32, #tpu.memory_space<vmem>>, vector<1x16xf32>,
      %swap3A_357 = arith.constant 2 : i32
      %swap3A_358 = arith.index_cast %swap3A_357 : i32 to index
      %swap3A_359 = arith.constant 48 : index
      %swap3A_360 = tpu.vector_load %arg7[%swap3A_358, %swap3A_359] {strides = array<i32>} : memref<8x128xf32, #tpu.memory_space<vmem>>, vector<1x16xf32>,
      %swap3A_361 = vector.shape_cast %swap3A_360 : vector<1x16xf32> to vector<16xf32>
      %swap3A_362 = vector.shape_cast %scan3A_343#2 : vector<16xf32> to vector<1x16xf32>
      tpu.vector_store %arg7[%swap3A_358, %swap3A_359], %swap3A_362 {strides = array<i32>} : memref<8x128xf32, #tpu.memory_space<vmem>>, vector<1x16xf32>,
      %swap3A_363 = arith.constant 3 : i32
      %swap3A_364 = arith.index_cast %swap3A_363 : i32 to index
      %swap3A_365 = arith.constant 48 : index
      %swap3A_366 = tpu.vector_load %arg7[%swap3A_364, %swap3A_365] {strides = array<i32>} : memref<8x128xf32, #tpu.memory_space<vmem>>, vector<1x16xf32>,
      %swap3A_367 = vector.shape_cast %swap3A_366 : vector<1x16xf32> to vector<16xf32>
      %swap3A_368 = vector.shape_cast %scan3A_343#3 : vector<16xf32> to vector<1x16xf32>
      tpu.vector_store %arg7[%swap3A_364, %swap3A_365], %swap3A_368 {strides = array<i32>} : memref<8x128xf32, #tpu.memory_space<vmem>>, vector<1x16xf32>,
      %swap3A_369 = arith.constant 4 : i32
      %swap3A_370 = arith.index_cast %swap3A_369 : i32 to index
      %swap3A_371 = arith.constant 48 : index
      %swap3A_372 = tpu.vector_load %arg7[%swap3A_370, %swap3A_371] {strides = array<i32>} : memref<8x128xf32, #tpu.memory_space<vmem>>, vector<1x16xf32>,
      %swap3A_373 = vector.shape_cast %swap3A_372 : vector<1x16xf32> to vector<16xf32>
      %swap3A_374 = vector.shape_cast %scan3A_343#4 : vector<16xf32> to vector<1x16xf32>
      tpu.vector_store %arg7[%swap3A_370, %swap3A_371], %swap3A_374 {strides = array<i32>} : memref<8x128xf32, #tpu.memory_space<vmem>>, vector<1x16xf32>,
      %swap3A_375 = arith.constant 5 : i32
      %swap3A_376 = arith.index_cast %swap3A_375 : i32 to index
      %swap3A_377 = arith.constant 48 : index
      %swap3A_378 = tpu.vector_load %arg7[%swap3A_376, %swap3A_377] {strides = array<i32>} : memref<8x128xf32, #tpu.memory_space<vmem>>, vector<1x16xf32>,
      %swap3A_379 = vector.shape_cast %swap3A_378 : vector<1x16xf32> to vector<16xf32>
      %swap3A_380 = vector.shape_cast %scan3A_343#5 : vector<16xf32> to vector<1x16xf32>
      tpu.vector_store %arg7[%swap3A_376, %swap3A_377], %swap3A_380 {strides = array<i32>} : memref<8x128xf32, #tpu.memory_space<vmem>>, vector<1x16xf32>,
      %swap3A_381 = arith.constant 6 : i32
      %swap3A_382 = arith.index_cast %swap3A_381 : i32 to index
      %swap3A_383 = arith.constant 48 : index
      %swap3A_384 = tpu.vector_load %arg7[%swap3A_382, %swap3A_383] {strides = array<i32>} : memref<8x128xf32, #tpu.memory_space<vmem>>, vector<1x16xf32>,
      %swap3A_385 = vector.shape_cast %swap3A_384 : vector<1x16xf32> to vector<16xf32>
      %swap3A_386 = vector.shape_cast %scan3A_343#6 : vector<16xf32> to vector<1x16xf32>
      tpu.vector_store %arg7[%swap3A_382, %swap3A_383], %swap3A_386 {strides = array<i32>} : memref<8x128xf32, #tpu.memory_space<vmem>>, vector<1x16xf32>,
      %swap3A_387 = arith.constant 7 : i32
      %swap3A_388 = arith.index_cast %swap3A_387 : i32 to index
      %swap3A_389 = arith.constant 48 : index
      %swap3A_390 = tpu.vector_load %arg7[%swap3A_388, %swap3A_389] {strides = array<i32>} : memref<8x128xf32, #tpu.memory_space<vmem>>, vector<1x16xf32>,
      %swap3A_391 = vector.shape_cast %swap3A_390 : vector<1x16xf32> to vector<16xf32>
      %swap3A_392 = vector.shape_cast %scan3A_343#7 : vector<16xf32> to vector<1x16xf32>
      tpu.vector_store %arg7[%swap3A_388, %swap3A_389], %swap3A_392 {strides = array<i32>} : memref<8x128xf32, #tpu.memory_space<vmem>>, vector<1x16xf32>,
      %get3A_393 = arith.constant 0 : i32
      %get3A_394 = arith.index_cast %get3A_393 : i32 to index
      %get3A_395 = arith.constant 64 : index
      %get3A_396 = tpu.vector_load %arg6[%get3A_394, %get3A_395] {strides = array<i32>} : memref<128x128xf32, #tpu.memory_space<vmem>>, vector<1x16xf32>,
      %get3A_397 = vector.shape_cast %get3A_396 : vector<1x16xf32> to vector<16xf32>
      %get3A_398 = arith.constant 16 : i32
      %get3A_399 = arith.index_cast %get3A_398 : i32 to index
      %get3A_400 = arith.constant 64 : index
      %get3A_401 = tpu.vector_load %arg6[%get3A_399, %get3A_400] {strides = array<i32>} : memref<128x128xf32, #tpu.memory_space<vmem>>, vector<1x16xf32>,
      %get3A_402 = vector.shape_cast %get3A_401 : vector<1x16xf32> to vector<16xf32>
      %get3A_403 = arith.constant 32 : i32
      %get3A_404 = arith.index_cast %get3A_403 : i32 to index
      %get3A_405 = arith.constant 64 : index
      %get3A_406 = tpu.vector_load %arg6[%get3A_404, %get3A_405] {strides = array<i32>} : memref<128x128xf32, #tpu.memory_space<vmem>>, vector<1x16xf32>,
      %get3A_407 = vector.shape_cast %get3A_406 : vector<1x16xf32> to vector<16xf32>
      %get3A_408 = arith.constant 48 : i32
      %get3A_409 = arith.index_cast %get3A_408 : i32 to index
      %get3A_410 = arith.constant 64 : index
      %get3A_411 = tpu.vector_load %arg6[%get3A_409, %get3A_410] {strides = array<i32>} : memref<128x128xf32, #tpu.memory_space<vmem>>, vector<1x16xf32>,
      %get3A_412 = vector.shape_cast %get3A_411 : vector<1x16xf32> to vector<16xf32>
      %get3A_413 = arith.constant 64 : i32
      %get3A_414 = arith.index_cast %get3A_413 : i32 to index
      %get3A_415 = arith.constant 64 : index
      %get3A_416 = tpu.vector_load %arg6[%get3A_414, %get3A_415] {strides = array<i32>} : memref<128x128xf32, #tpu.memory_space<vmem>>, vector<1x16xf32>,
      %get3A_417 = vector.shape_cast %get3A_416 : vector<1x16xf32> to vector<16xf32>
      %get3A_418 = arith.constant 80 : i32
      %get3A_419 = arith.index_cast %get3A_418 : i32 to index
      %get3A_420 = arith.constant 64 : index
      %get3A_421 = tpu.vector_load %arg6[%get3A_419, %get3A_420] {strides = array<i32>} : memref<128x128xf32, #tpu.memory_space<vmem>>, vector<1x16xf32>,
      %get3A_422 = vector.shape_cast %get3A_421 : vector<1x16xf32> to vector<16xf32>
      %get3A_423 = arith.constant 96 : i32
      %get3A_424 = arith.index_cast %get3A_423 : i32 to index
      %get3A_425 = arith.constant 64 : index
      %get3A_426 = tpu.vector_load %arg6[%get3A_424, %get3A_425] {strides = array<i32>} : memref<128x128xf32, #tpu.memory_space<vmem>>, vector<1x16xf32>,
      %get3A_427 = vector.shape_cast %get3A_426 : vector<1x16xf32> to vector<16xf32>
      %get3A_428 = arith.constant 112 : i32
      %get3A_429 = arith.index_cast %get3A_428 : i32 to index
      %get3A_430 = arith.constant 64 : index
      %get3A_431 = tpu.vector_load %arg6[%get3A_429, %get3A_430] {strides = array<i32>} : memref<128x128xf32, #tpu.memory_space<vmem>>, vector<1x16xf32>,
      %get3A_432 = vector.shape_cast %get3A_431 : vector<1x16xf32> to vector<16xf32>
      %scan3A_433 = arith.constant 1 : i32
      %scan3A_434 = arith.constant 15 : i32
      %scan3A_435 = arith.addi %scan3A_433, %scan3A_434 : i32
      %scan3A_436 = arith.constant 1 : i32
      %scan3A_437:8 = scf.for %scan3A_772 = %scan3A_433 to %scan3A_435 step %scan3A_436 iter_args(%scan3A_773 = %get3A_397, %scan3A_774 = %get3A_402, %scan3A_775 = %get3A_407, %scan3A_776 = %get3A_412, %scan3A_777 = %get3A_417, %scan3A_778 = %get3A_422, %scan3A_779 = %get3A_427, %scan3A_780 = %get3A_432) -> (vector<16xf32>, vector<16xf32>, vector<16xf32>, vector<16xf32>, vector<16xf32>, vector<16xf32>, vector<16xf32>, vector<16xf32>)  : i32 {
        %add3A_781 = arith.constant 0 : i32
        %add3A_782 = arith.addi %add3A_781, %scan3A_772 : i32
        %get3A_783 = arith.index_cast %add3A_782 : i32 to index
        %get3A_784 = arith.constant 64 : index
        %get3A_785 = tpu.vector_load %arg6[%get3A_783, %get3A_784] {strides = array<i32>} : memref<128x128xf32, #tpu.memory_space<vmem>>, vector<1x16xf32>,
        %get3A_786 = vector.shape_cast %get3A_785 : vector<1x16xf32> to vector<16xf32>
        %max3A = arith.maximumf %scan3A_773, %get3A_786 : vector<16xf32>
        %add3A_787 = arith.constant 16 : i32
        %add3A_788 = arith.addi %add3A_787, %scan3A_772 : i32
        %get3A_789 = arith.index_cast %add3A_788 : i32 to index
        %get3A_790 = arith.constant 64 : index
        %get3A_791 = tpu.vector_load %arg6[%get3A_789, %get3A_790] {strides = array<i32>} : memref<128x128xf32, #tpu.memory_space<vmem>>, vector<1x16xf32>,
        %get3A_792 = vector.shape_cast %get3A_791 : vector<1x16xf32> to vector<16xf32>
        %max3A_793 = arith.maximumf %scan3A_774, %get3A_792 : vector<16xf32>
        %add3A_794 = arith.constant 32 : i32
        %add3A_795 = arith.addi %add3A_794, %scan3A_772 : i32
        %get3A_796 = arith.index_cast %add3A_795 : i32 to index
        %get3A_797 = arith.constant 64 : index
        %get3A_798 = tpu.vector_load %arg6[%get3A_796, %get3A_797] {strides = array<i32>} : memref<128x128xf32, #tpu.memory_space<vmem>>, vector<1x16xf32>,
        %get3A_799 = vector.shape_cast %get3A_798 : vector<1x16xf32> to vector<16xf32>
        %max3A_800 = arith.maximumf %scan3A_775, %get3A_799 : vector<16xf32>
        %add3A_801 = arith.constant 48 : i32
        %add3A_802 = arith.addi %add3A_801, %scan3A_772 : i32
        %get3A_803 = arith.index_cast %add3A_802 : i32 to index
        %get3A_804 = arith.constant 64 : index
        %get3A_805 = tpu.vector_load %arg6[%get3A_803, %get3A_804] {strides = array<i32>} : memref<128x128xf32, #tpu.memory_space<vmem>>, vector<1x16xf32>,
        %get3A_806 = vector.shape_cast %get3A_805 : vector<1x16xf32> to vector<16xf32>
        %max3A_807 = arith.maximumf %scan3A_776, %get3A_806 : vector<16xf32>
        %add3A_808 = arith.constant 64 : i32
        %add3A_809 = arith.addi %add3A_808, %scan3A_772 : i32
        %get3A_810 = arith.index_cast %add3A_809 : i32 to index
        %get3A_811 = arith.constant 64 : index
        %get3A_812 = tpu.vector_load %arg6[%get3A_810, %get3A_811] {strides = array<i32>} : memref<128x128xf32, #tpu.memory_space<vmem>>, vector<1x16xf32>,
        %get3A_813 = vector.shape_cast %get3A_812 : vector<1x16xf32> to vector<16xf32>
        %max3A_814 = arith.maximumf %scan3A_777, %get3A_813 : vector<16xf32>
        %add3A_815 = arith.constant 80 : i32
        %add3A_816 = arith.addi %add3A_815, %scan3A_772 : i32
        %get3A_817 = arith.index_cast %add3A_816 : i32 to index
        %get3A_818 = arith.constant 64 : index
        %get3A_819 = tpu.vector_load %arg6[%get3A_817, %get3A_818] {strides = array<i32>} : memref<128x128xf32, #tpu.memory_space<vmem>>, vector<1x16xf32>,
        %get3A_820 = vector.shape_cast %get3A_819 : vector<1x16xf32> to vector<16xf32>
        %max3A_821 = arith.maximumf %scan3A_778, %get3A_820 : vector<16xf32>
        %add3A_822 = arith.constant 96 : i32
        %add3A_823 = arith.addi %add3A_822, %scan3A_772 : i32
        %get3A_824 = arith.index_cast %add3A_823 : i32 to index
        %get3A_825 = arith.constant 64 : index
        %get3A_826 = tpu.vector_load %arg6[%get3A_824, %get3A_825] {strides = array<i32>} : memref<128x128xf32, #tpu.memory_space<vmem>>, vector<1x16xf32>,
        %get3A_827 = vector.shape_cast %get3A_826 : vector<1x16xf32> to vector<16xf32>
        %max3A_828 = arith.maximumf %scan3A_779, %get3A_827 : vector<16xf32>
        %add3A_829 = arith.constant 112 : i32
        %add3A_830 = arith.addi %add3A_829, %scan3A_772 : i32
        %get3A_831 = arith.index_cast %add3A_830 : i32 to index
        %get3A_832 = arith.constant 64 : index
        %get3A_833 = tpu.vector_load %arg6[%get3A_831, %get3A_832] {strides = array<i32>} : memref<128x128xf32, #tpu.memory_space<vmem>>, vector<1x16xf32>,
        %get3A_834 = vector.shape_cast %get3A_833 : vector<1x16xf32> to vector<16xf32>
        %max3A_835 = arith.maximumf %scan3A_780, %get3A_834 : vector<16xf32>
        scf.yield %max3A, %max3A_793, %max3A_800, %max3A_807, %max3A_814, %max3A_821, %max3A_828, %max3A_835 : vector<16xf32>, vector<16xf32>, vector<16xf32>, vector<16xf32>, vector<16xf32>, vector<16xf32>, vector<16xf32>, vector<16xf32>
      }
      %scan3A_438 = arith.constant 15 : i32
      %swap3A_439 = arith.constant 0 : i32
      %swap3A_440 = arith.index_cast %swap3A_439 : i32 to index
      %swap3A_441 = arith.constant 64 : index
      %swap3A_442 = tpu.vector_load %arg7[%swap3A_440, %swap3A_441] {strides = array<i32>} : memref<8x128xf32, #tpu.memory_space<vmem>>, vector<1x16xf32>,
      %swap3A_443 = vector.shape_cast %swap3A_442 : vector<1x16xf32> to vector<16xf32>
      %swap3A_444 = vector.shape_cast %scan3A_437#0 : vector<16xf32> to vector<1x16xf32>
      tpu.vector_store %arg7[%swap3A_440, %swap3A_441], %swap3A_444 {strides = array<i32>} : memref<8x128xf32, #tpu.memory_space<vmem>>, vector<1x16xf32>,
      %swap3A_445 = arith.constant 1 : i32
      %swap3A_446 = arith.index_cast %swap3A_445 : i32 to index
      %swap3A_447 = arith.constant 64 : index
      %swap3A_448 = tpu.vector_load %arg7[%swap3A_446, %swap3A_447] {strides = array<i32>} : memref<8x128xf32, #tpu.memory_space<vmem>>, vector<1x16xf32>,
      %swap3A_449 = vector.shape_cast %swap3A_448 : vector<1x16xf32> to vector<16xf32>
      %swap3A_450 = vector.shape_cast %scan3A_437#1 : vector<16xf32> to vector<1x16xf32>
      tpu.vector_store %arg7[%swap3A_446, %swap3A_447], %swap3A_450 {strides = array<i32>} : memref<8x128xf32, #tpu.memory_space<vmem>>, vector<1x16xf32>,
      %swap3A_451 = arith.constant 2 : i32
      %swap3A_452 = arith.index_cast %swap3A_451 : i32 to index
      %swap3A_453 = arith.constant 64 : index
      %swap3A_454 = tpu.vector_load %arg7[%swap3A_452, %swap3A_453] {strides = array<i32>} : memref<8x128xf32, #tpu.memory_space<vmem>>, vector<1x16xf32>,
      %swap3A_455 = vector.shape_cast %swap3A_454 : vector<1x16xf32> to vector<16xf32>
      %swap3A_456 = vector.shape_cast %scan3A_437#2 : vector<16xf32> to vector<1x16xf32>
      tpu.vector_store %arg7[%swap3A_452, %swap3A_453], %swap3A_456 {strides = array<i32>} : memref<8x128xf32, #tpu.memory_space<vmem>>, vector<1x16xf32>,
      %swap3A_457 = arith.constant 3 : i32
      %swap3A_458 = arith.index_cast %swap3A_457 : i32 to index
      %swap3A_459 = arith.constant 64 : index
      %swap3A_460 = tpu.vector_load %arg7[%swap3A_458, %swap3A_459] {strides = array<i32>} : memref<8x128xf32, #tpu.memory_space<vmem>>, vector<1x16xf32>,
      %swap3A_461 = vector.shape_cast %swap3A_460 : vector<1x16xf32> to vector<16xf32>
      %swap3A_462 = vector.shape_cast %scan3A_437#3 : vector<16xf32> to vector<1x16xf32>
      tpu.vector_store %arg7[%swap3A_458, %swap3A_459], %swap3A_462 {strides = array<i32>} : memref<8x128xf32, #tpu.memory_space<vmem>>, vector<1x16xf32>,
      %swap3A_463 = arith.constant 4 : i32
      %swap3A_464 = arith.index_cast %swap3A_463 : i32 to index
      %swap3A_465 = arith.constant 64 : index
      %swap3A_466 = tpu.vector_load %arg7[%swap3A_464, %swap3A_465] {strides = array<i32>} : memref<8x128xf32, #tpu.memory_space<vmem>>, vector<1x16xf32>,
      %swap3A_467 = vector.shape_cast %swap3A_466 : vector<1x16xf32> to vector<16xf32>
      %swap3A_468 = vector.shape_cast %scan3A_437#4 : vector<16xf32> to vector<1x16xf32>
      tpu.vector_store %arg7[%swap3A_464, %swap3A_465], %swap3A_468 {strides = array<i32>} : memref<8x128xf32, #tpu.memory_space<vmem>>, vector<1x16xf32>,
      %swap3A_469 = arith.constant 5 : i32
      %swap3A_470 = arith.index_cast %swap3A_469 : i32 to index
      %swap3A_471 = arith.constant 64 : index
      %swap3A_472 = tpu.vector_load %arg7[%swap3A_470, %swap3A_471] {strides = array<i32>} : memref<8x128xf32, #tpu.memory_space<vmem>>, vector<1x16xf32>,
      %swap3A_473 = vector.shape_cast %swap3A_472 : vector<1x16xf32> to vector<16xf32>
      %swap3A_474 = vector.shape_cast %scan3A_437#5 : vector<16xf32> to vector<1x16xf32>
      tpu.vector_store %arg7[%swap3A_470, %swap3A_471], %swap3A_474 {strides = array<i32>} : memref<8x128xf32, #tpu.memory_space<vmem>>, vector<1x16xf32>,
      %swap3A_475 = arith.constant 6 : i32
      %swap3A_476 = arith.index_cast %swap3A_475 : i32 to index
      %swap3A_477 = arith.constant 64 : index
      %swap3A_478 = tpu.vector_load %arg7[%swap3A_476, %swap3A_477] {strides = array<i32>} : memref<8x128xf32, #tpu.memory_space<vmem>>, vector<1x16xf32>,
      %swap3A_479 = vector.shape_cast %swap3A_478 : vector<1x16xf32> to vector<16xf32>
      %swap3A_480 = vector.shape_cast %scan3A_437#6 : vector<16xf32> to vector<1x16xf32>
      tpu.vector_store %arg7[%swap3A_476, %swap3A_477], %swap3A_480 {strides = array<i32>} : memref<8x128xf32, #tpu.memory_space<vmem>>, vector<1x16xf32>,
      %swap3A_481 = arith.constant 7 : i32
      %swap3A_482 = arith.index_cast %swap3A_481 : i32 to index
      %swap3A_483 = arith.constant 64 : index
      %swap3A_484 = tpu.vector_load %arg7[%swap3A_482, %swap3A_483] {strides = array<i32>} : memref<8x128xf32, #tpu.memory_space<vmem>>, vector<1x16xf32>,
      %swap3A_485 = vector.shape_cast %swap3A_484 : vector<1x16xf32> to vector<16xf32>
      %swap3A_486 = vector.shape_cast %scan3A_437#7 : vector<16xf32> to vector<1x16xf32>
      tpu.vector_store %arg7[%swap3A_482, %swap3A_483], %swap3A_486 {strides = array<i32>} : memref<8x128xf32, #tpu.memory_space<vmem>>, vector<1x16xf32>,
      %get3A_487 = arith.constant 0 : i32
      %get3A_488 = arith.index_cast %get3A_487 : i32 to index
      %get3A_489 = arith.constant 80 : index
      %get3A_490 = tpu.vector_load %arg6[%get3A_488, %get3A_489] {strides = array<i32>} : memref<128x128xf32, #tpu.memory_space<vmem>>, vector<1x16xf32>,
      %get3A_491 = vector.shape_cast %get3A_490 : vector<1x16xf32> to vector<16xf32>
      %get3A_492 = arith.constant 16 : i32
      %get3A_493 = arith.index_cast %get3A_492 : i32 to index
      %get3A_494 = arith.constant 80 : index
      %get3A_495 = tpu.vector_load %arg6[%get3A_493, %get3A_494] {strides = array<i32>} : memref<128x128xf32, #tpu.memory_space<vmem>>, vector<1x16xf32>,
      %get3A_496 = vector.shape_cast %get3A_495 : vector<1x16xf32> to vector<16xf32>
      %get3A_497 = arith.constant 32 : i32
      %get3A_498 = arith.index_cast %get3A_497 : i32 to index
      %get3A_499 = arith.constant 80 : index
      %get3A_500 = tpu.vector_load %arg6[%get3A_498, %get3A_499] {strides = array<i32>} : memref<128x128xf32, #tpu.memory_space<vmem>>, vector<1x16xf32>,
      %get3A_501 = vector.shape_cast %get3A_500 : vector<1x16xf32> to vector<16xf32>
      %get3A_502 = arith.constant 48 : i32
      %get3A_503 = arith.index_cast %get3A_502 : i32 to index
      %get3A_504 = arith.constant 80 : index
      %get3A_505 = tpu.vector_load %arg6[%get3A_503, %get3A_504] {strides = array<i32>} : memref<128x128xf32, #tpu.memory_space<vmem>>, vector<1x16xf32>,
      %get3A_506 = vector.shape_cast %get3A_505 : vector<1x16xf32> to vector<16xf32>
      %get3A_507 = arith.constant 64 : i32
      %get3A_508 = arith.index_cast %get3A_507 : i32 to index
      %get3A_509 = arith.constant 80 : index
      %get3A_510 = tpu.vector_load %arg6[%get3A_508, %get3A_509] {strides = array<i32>} : memref<128x128xf32, #tpu.memory_space<vmem>>, vector<1x16xf32>,
      %get3A_511 = vector.shape_cast %get3A_510 : vector<1x16xf32> to vector<16xf32>
      %get3A_512 = arith.constant 80 : i32
      %get3A_513 = arith.index_cast %get3A_512 : i32 to index
      %get3A_514 = arith.constant 80 : index
      %get3A_515 = tpu.vector_load %arg6[%get3A_513, %get3A_514] {strides = array<i32>} : memref<128x128xf32, #tpu.memory_space<vmem>>, vector<1x16xf32>,
      %get3A_516 = vector.shape_cast %get3A_515 : vector<1x16xf32> to vector<16xf32>
      %get3A_517 = arith.constant 96 : i32
      %get3A_518 = arith.index_cast %get3A_517 : i32 to index
      %get3A_519 = arith.constant 80 : index
      %get3A_520 = tpu.vector_load %arg6[%get3A_518, %get3A_519] {strides = array<i32>} : memref<128x128xf32, #tpu.memory_space<vmem>>, vector<1x16xf32>,
      %get3A_521 = vector.shape_cast %get3A_520 : vector<1x16xf32> to vector<16xf32>
      %get3A_522 = arith.constant 112 : i32
      %get3A_523 = arith.index_cast %get3A_522 : i32 to index
      %get3A_524 = arith.constant 80 : index
      %get3A_525 = tpu.vector_load %arg6[%get3A_523, %get3A_524] {strides = array<i32>} : memref<128x128xf32, #tpu.memory_space<vmem>>, vector<1x16xf32>,
      %get3A_526 = vector.shape_cast %get3A_525 : vector<1x16xf32> to vector<16xf32>
      %scan3A_527 = arith.constant 1 : i32
      %scan3A_528 = arith.constant 15 : i32
      %scan3A_529 = arith.addi %scan3A_527, %scan3A_528 : i32
      %scan3A_530 = arith.constant 1 : i32
      %scan3A_531:8 = scf.for %scan3A_772 = %scan3A_527 to %scan3A_529 step %scan3A_530 iter_args(%scan3A_773 = %get3A_491, %scan3A_774 = %get3A_496, %scan3A_775 = %get3A_501, %scan3A_776 = %get3A_506, %scan3A_777 = %get3A_511, %scan3A_778 = %get3A_516, %scan3A_779 = %get3A_521, %scan3A_780 = %get3A_526) -> (vector<16xf32>, vector<16xf32>, vector<16xf32>, vector<16xf32>, vector<16xf32>, vector<16xf32>, vector<16xf32>, vector<16xf32>)  : i32 {
        %add3A_781 = arith.constant 0 : i32
        %add3A_782 = arith.addi %add3A_781, %scan3A_772 : i32
        %get3A_783 = arith.index_cast %add3A_782 : i32 to index
        %get3A_784 = arith.constant 80 : index
        %get3A_785 = tpu.vector_load %arg6[%get3A_783, %get3A_784] {strides = array<i32>} : memref<128x128xf32, #tpu.memory_space<vmem>>, vector<1x16xf32>,
        %get3A_786 = vector.shape_cast %get3A_785 : vector<1x16xf32> to vector<16xf32>
        %max3A = arith.maximumf %scan3A_773, %get3A_786 : vector<16xf32>
        %add3A_787 = arith.constant 16 : i32
        %add3A_788 = arith.addi %add3A_787, %scan3A_772 : i32
        %get3A_789 = arith.index_cast %add3A_788 : i32 to index
        %get3A_790 = arith.constant 80 : index
        %get3A_791 = tpu.vector_load %arg6[%get3A_789, %get3A_790] {strides = array<i32>} : memref<128x128xf32, #tpu.memory_space<vmem>>, vector<1x16xf32>,
        %get3A_792 = vector.shape_cast %get3A_791 : vector<1x16xf32> to vector<16xf32>
        %max3A_793 = arith.maximumf %scan3A_774, %get3A_792 : vector<16xf32>
        %add3A_794 = arith.constant 32 : i32
        %add3A_795 = arith.addi %add3A_794, %scan3A_772 : i32
        %get3A_796 = arith.index_cast %add3A_795 : i32 to index
        %get3A_797 = arith.constant 80 : index
        %get3A_798 = tpu.vector_load %arg6[%get3A_796, %get3A_797] {strides = array<i32>} : memref<128x128xf32, #tpu.memory_space<vmem>>, vector<1x16xf32>,
        %get3A_799 = vector.shape_cast %get3A_798 : vector<1x16xf32> to vector<16xf32>
        %max3A_800 = arith.maximumf %scan3A_775, %get3A_799 : vector<16xf32>
        %add3A_801 = arith.constant 48 : i32
        %add3A_802 = arith.addi %add3A_801, %scan3A_772 : i32
        %get3A_803 = arith.index_cast %add3A_802 : i32 to index
        %get3A_804 = arith.constant 80 : index
        %get3A_805 = tpu.vector_load %arg6[%get3A_803, %get3A_804] {strides = array<i32>} : memref<128x128xf32, #tpu.memory_space<vmem>>, vector<1x16xf32>,
        %get3A_806 = vector.shape_cast %get3A_805 : vector<1x16xf32> to vector<16xf32>
        %max3A_807 = arith.maximumf %scan3A_776, %get3A_806 : vector<16xf32>
        %add3A_808 = arith.constant 64 : i32
        %add3A_809 = arith.addi %add3A_808, %scan3A_772 : i32
        %get3A_810 = arith.index_cast %add3A_809 : i32 to index
        %get3A_811 = arith.constant 80 : index
        %get3A_812 = tpu.vector_load %arg6[%get3A_810, %get3A_811] {strides = array<i32>} : memref<128x128xf32, #tpu.memory_space<vmem>>, vector<1x16xf32>,
        %get3A_813 = vector.shape_cast %get3A_812 : vector<1x16xf32> to vector<16xf32>
        %max3A_814 = arith.maximumf %scan3A_777, %get3A_813 : vector<16xf32>
        %add3A_815 = arith.constant 80 : i32
        %add3A_816 = arith.addi %add3A_815, %scan3A_772 : i32
        %get3A_817 = arith.index_cast %add3A_816 : i32 to index
        %get3A_818 = arith.constant 80 : index
        %get3A_819 = tpu.vector_load %arg6[%get3A_817, %get3A_818] {strides = array<i32>} : memref<128x128xf32, #tpu.memory_space<vmem>>, vector<1x16xf32>,
        %get3A_820 = vector.shape_cast %get3A_819 : vector<1x16xf32> to vector<16xf32>
        %max3A_821 = arith.maximumf %scan3A_778, %get3A_820 : vector<16xf32>
        %add3A_822 = arith.constant 96 : i32
        %add3A_823 = arith.addi %add3A_822, %scan3A_772 : i32
        %get3A_824 = arith.index_cast %add3A_823 : i32 to index
        %get3A_825 = arith.constant 80 : index
        %get3A_826 = tpu.vector_load %arg6[%get3A_824, %get3A_825] {strides = array<i32>} : memref<128x128xf32, #tpu.memory_space<vmem>>, vector<1x16xf32>,
        %get3A_827 = vector.shape_cast %get3A_826 : vector<1x16xf32> to vector<16xf32>
        %max3A_828 = arith.maximumf %scan3A_779, %get3A_827 : vector<16xf32>
        %add3A_829 = arith.constant 112 : i32
        %add3A_830 = arith.addi %add3A_829, %scan3A_772 : i32
        %get3A_831 = arith.index_cast %add3A_830 : i32 to index
        %get3A_832 = arith.constant 80 : index
        %get3A_833 = tpu.vector_load %arg6[%get3A_831, %get3A_832] {strides = array<i32>} : memref<128x128xf32, #tpu.memory_space<vmem>>, vector<1x16xf32>,
        %get3A_834 = vector.shape_cast %get3A_833 : vector<1x16xf32> to vector<16xf32>
        %max3A_835 = arith.maximumf %scan3A_780, %get3A_834 : vector<16xf32>
        scf.yield %max3A, %max3A_793, %max3A_800, %max3A_807, %max3A_814, %max3A_821, %max3A_828, %max3A_835 : vector<16xf32>, vector<16xf32>, vector<16xf32>, vector<16xf32>, vector<16xf32>, vector<16xf32>, vector<16xf32>, vector<16xf32>
      }
      %scan3A_532 = arith.constant 15 : i32
      %swap3A_533 = arith.constant 0 : i32
      %swap3A_534 = arith.index_cast %swap3A_533 : i32 to index
      %swap3A_535 = arith.constant 80 : index
      %swap3A_536 = tpu.vector_load %arg7[%swap3A_534, %swap3A_535] {strides = array<i32>} : memref<8x128xf32, #tpu.memory_space<vmem>>, vector<1x16xf32>,
      %swap3A_537 = vector.shape_cast %swap3A_536 : vector<1x16xf32> to vector<16xf32>
      %swap3A_538 = vector.shape_cast %scan3A_531#0 : vector<16xf32> to vector<1x16xf32>
      tpu.vector_store %arg7[%swap3A_534, %swap3A_535], %swap3A_538 {strides = array<i32>} : memref<8x128xf32, #tpu.memory_space<vmem>>, vector<1x16xf32>,
      %swap3A_539 = arith.constant 1 : i32
      %swap3A_540 = arith.index_cast %swap3A_539 : i32 to index
      %swap3A_541 = arith.constant 80 : index
      %swap3A_542 = tpu.vector_load %arg7[%swap3A_540, %swap3A_541] {strides = array<i32>} : memref<8x128xf32, #tpu.memory_space<vmem>>, vector<1x16xf32>,
      %swap3A_543 = vector.shape_cast %swap3A_542 : vector<1x16xf32> to vector<16xf32>
      %swap3A_544 = vector.shape_cast %scan3A_531#1 : vector<16xf32> to vector<1x16xf32>
      tpu.vector_store %arg7[%swap3A_540, %swap3A_541], %swap3A_544 {strides = array<i32>} : memref<8x128xf32, #tpu.memory_space<vmem>>, vector<1x16xf32>,
      %swap3A_545 = arith.constant 2 : i32
      %swap3A_546 = arith.index_cast %swap3A_545 : i32 to index
      %swap3A_547 = arith.constant 80 : index
      %swap3A_548 = tpu.vector_load %arg7[%swap3A_546, %swap3A_547] {strides = array<i32>} : memref<8x128xf32, #tpu.memory_space<vmem>>, vector<1x16xf32>,
      %swap3A_549 = vector.shape_cast %swap3A_548 : vector<1x16xf32> to vector<16xf32>
      %swap3A_550 = vector.shape_cast %scan3A_531#2 : vector<16xf32> to vector<1x16xf32>
      tpu.vector_store %arg7[%swap3A_546, %swap3A_547], %swap3A_550 {strides = array<i32>} : memref<8x128xf32, #tpu.memory_space<vmem>>, vector<1x16xf32>,
      %swap3A_551 = arith.constant 3 : i32
      %swap3A_552 = arith.index_cast %swap3A_551 : i32 to index
      %swap3A_553 = arith.constant 80 : index
      %swap3A_554 = tpu.vector_load %arg7[%swap3A_552, %swap3A_553] {strides = array<i32>} : memref<8x128xf32, #tpu.memory_space<vmem>>, vector<1x16xf32>,
      %swap3A_555 = vector.shape_cast %swap3A_554 : vector<1x16xf32> to vector<16xf32>
      %swap3A_556 = vector.shape_cast %scan3A_531#3 : vector<16xf32> to vector<1x16xf32>
      tpu.vector_store %arg7[%swap3A_552, %swap3A_553], %swap3A_556 {strides = array<i32>} : memref<8x128xf32, #tpu.memory_space<vmem>>, vector<1x16xf32>,
      %swap3A_557 = arith.constant 4 : i32
      %swap3A_558 = arith.index_cast %swap3A_557 : i32 to index
      %swap3A_559 = arith.constant 80 : index
      %swap3A_560 = tpu.vector_load %arg7[%swap3A_558, %swap3A_559] {strides = array<i32>} : memref<8x128xf32, #tpu.memory_space<vmem>>, vector<1x16xf32>,
      %swap3A_561 = vector.shape_cast %swap3A_560 : vector<1x16xf32> to vector<16xf32>
      %swap3A_562 = vector.shape_cast %scan3A_531#4 : vector<16xf32> to vector<1x16xf32>
      tpu.vector_store %arg7[%swap3A_558, %swap3A_559], %swap3A_562 {strides = array<i32>} : memref<8x128xf32, #tpu.memory_space<vmem>>, vector<1x16xf32>,
      %swap3A_563 = arith.constant 5 : i32
      %swap3A_564 = arith.index_cast %swap3A_563 : i32 to index
      %swap3A_565 = arith.constant 80 : index
      %swap3A_566 = tpu.vector_load %arg7[%swap3A_564, %swap3A_565] {strides = array<i32>} : memref<8x128xf32, #tpu.memory_space<vmem>>, vector<1x16xf32>,
      %swap3A_567 = vector.shape_cast %swap3A_566 : vector<1x16xf32> to vector<16xf32>
      %swap3A_568 = vector.shape_cast %scan3A_531#5 : vector<16xf32> to vector<1x16xf32>
      tpu.vector_store %arg7[%swap3A_564, %swap3A_565], %swap3A_568 {strides = array<i32>} : memref<8x128xf32, #tpu.memory_space<vmem>>, vector<1x16xf32>,
      %swap3A_569 = arith.constant 6 : i32
      %swap3A_570 = arith.index_cast %swap3A_569 : i32 to index
      %swap3A_571 = arith.constant 80 : index
      %swap3A_572 = tpu.vector_load %arg7[%swap3A_570, %swap3A_571] {strides = array<i32>} : memref<8x128xf32, #tpu.memory_space<vmem>>, vector<1x16xf32>,
      %swap3A_573 = vector.shape_cast %swap3A_572 : vector<1x16xf32> to vector<16xf32>
      %swap3A_574 = vector.shape_cast %scan3A_531#6 : vector<16xf32> to vector<1x16xf32>
      tpu.vector_store %arg7[%swap3A_570, %swap3A_571], %swap3A_574 {strides = array<i32>} : memref<8x128xf32, #tpu.memory_space<vmem>>, vector<1x16xf32>,
      %swap3A_575 = arith.constant 7 : i32
      %swap3A_576 = arith.index_cast %swap3A_575 : i32 to index
      %swap3A_577 = arith.constant 80 : index
      %swap3A_578 = tpu.vector_load %arg7[%swap3A_576, %swap3A_577] {strides = array<i32>} : memref<8x128xf32, #tpu.memory_space<vmem>>, vector<1x16xf32>,
      %swap3A_579 = vector.shape_cast %swap3A_578 : vector<1x16xf32> to vector<16xf32>
      %swap3A_580 = vector.shape_cast %scan3A_531#7 : vector<16xf32> to vector<1x16xf32>
      tpu.vector_store %arg7[%swap3A_576, %swap3A_577], %swap3A_580 {strides = array<i32>} : memref<8x128xf32, #tpu.memory_space<vmem>>, vector<1x16xf32>,
      %get3A_581 = arith.constant 0 : i32
      %get3A_582 = arith.index_cast %get3A_581 : i32 to index
      %get3A_583 = arith.constant 96 : index
      %get3A_584 = tpu.vector_load %arg6[%get3A_582, %get3A_583] {strides = array<i32>} : memref<128x128xf32, #tpu.memory_space<vmem>>, vector<1x16xf32>,
      %get3A_585 = vector.shape_cast %get3A_584 : vector<1x16xf32> to vector<16xf32>
      %get3A_586 = arith.constant 16 : i32
      %get3A_587 = arith.index_cast %get3A_586 : i32 to index
      %get3A_588 = arith.constant 96 : index
      %get3A_589 = tpu.vector_load %arg6[%get3A_587, %get3A_588] {strides = array<i32>} : memref<128x128xf32, #tpu.memory_space<vmem>>, vector<1x16xf32>,
      %get3A_590 = vector.shape_cast %get3A_589 : vector<1x16xf32> to vector<16xf32>
      %get3A_591 = arith.constant 32 : i32
      %get3A_592 = arith.index_cast %get3A_591 : i32 to index
      %get3A_593 = arith.constant 96 : index
      %get3A_594 = tpu.vector_load %arg6[%get3A_592, %get3A_593] {strides = array<i32>} : memref<128x128xf32, #tpu.memory_space<vmem>>, vector<1x16xf32>,
      %get3A_595 = vector.shape_cast %get3A_594 : vector<1x16xf32> to vector<16xf32>
      %get3A_596 = arith.constant 48 : i32
      %get3A_597 = arith.index_cast %get3A_596 : i32 to index
      %get3A_598 = arith.constant 96 : index
      %get3A_599 = tpu.vector_load %arg6[%get3A_597, %get3A_598] {strides = array<i32>} : memref<128x128xf32, #tpu.memory_space<vmem>>, vector<1x16xf32>,
      %get3A_600 = vector.shape_cast %get3A_599 : vector<1x16xf32> to vector<16xf32>
      %get3A_601 = arith.constant 64 : i32
      %get3A_602 = arith.index_cast %get3A_601 : i32 to index
      %get3A_603 = arith.constant 96 : index
      %get3A_604 = tpu.vector_load %arg6[%get3A_602, %get3A_603] {strides = array<i32>} : memref<128x128xf32, #tpu.memory_space<vmem>>, vector<1x16xf32>,
      %get3A_605 = vector.shape_cast %get3A_604 : vector<1x16xf32> to vector<16xf32>
      %get3A_606 = arith.constant 80 : i32
      %get3A_607 = arith.index_cast %get3A_606 : i32 to index
      %get3A_608 = arith.constant 96 : index
      %get3A_609 = tpu.vector_load %arg6[%get3A_607, %get3A_608] {strides = array<i32>} : memref<128x128xf32, #tpu.memory_space<vmem>>, vector<1x16xf32>,
      %get3A_610 = vector.shape_cast %get3A_609 : vector<1x16xf32> to vector<16xf32>
      %get3A_611 = arith.constant 96 : i32
      %get3A_612 = arith.index_cast %get3A_611 : i32 to index
      %get3A_613 = arith.constant 96 : index
      %get3A_614 = tpu.vector_load %arg6[%get3A_612, %get3A_613] {strides = array<i32>} : memref<128x128xf32, #tpu.memory_space<vmem>>, vector<1x16xf32>,
      %get3A_615 = vector.shape_cast %get3A_614 : vector<1x16xf32> to vector<16xf32>
      %get3A_616 = arith.constant 112 : i32
      %get3A_617 = arith.index_cast %get3A_616 : i32 to index
      %get3A_618 = arith.constant 96 : index
      %get3A_619 = tpu.vector_load %arg6[%get3A_617, %get3A_618] {strides = array<i32>} : memref<128x128xf32, #tpu.memory_space<vmem>>, vector<1x16xf32>,
      %get3A_620 = vector.shape_cast %get3A_619 : vector<1x16xf32> to vector<16xf32>
      %scan3A_621 = arith.constant 1 : i32
      %scan3A_622 = arith.constant 15 : i32
      %scan3A_623 = arith.addi %scan3A_621, %scan3A_622 : i32
      %scan3A_624 = arith.constant 1 : i32
      %scan3A_625:8 = scf.for %scan3A_772 = %scan3A_621 to %scan3A_623 step %scan3A_624 iter_args(%scan3A_773 = %get3A_585, %scan3A_774 = %get3A_590, %scan3A_775 = %get3A_595, %scan3A_776 = %get3A_600, %scan3A_777 = %get3A_605, %scan3A_778 = %get3A_610, %scan3A_779 = %get3A_615, %scan3A_780 = %get3A_620) -> (vector<16xf32>, vector<16xf32>, vector<16xf32>, vector<16xf32>, vector<16xf32>, vector<16xf32>, vector<16xf32>, vector<16xf32>)  : i32 {
        %add3A_781 = arith.constant 0 : i32
        %add3A_782 = arith.addi %add3A_781, %scan3A_772 : i32
        %get3A_783 = arith.index_cast %add3A_782 : i32 to index
        %get3A_784 = arith.constant 96 : index
        %get3A_785 = tpu.vector_load %arg6[%get3A_783, %get3A_784] {strides = array<i32>} : memref<128x128xf32, #tpu.memory_space<vmem>>, vector<1x16xf32>,
        %get3A_786 = vector.shape_cast %get3A_785 : vector<1x16xf32> to vector<16xf32>
        %max3A = arith.maximumf %scan3A_773, %get3A_786 : vector<16xf32>
        %add3A_787 = arith.constant 16 : i32
        %add3A_788 = arith.addi %add3A_787, %scan3A_772 : i32
        %get3A_789 = arith.index_cast %add3A_788 : i32 to index
        %get3A_790 = arith.constant 96 : index
        %get3A_791 = tpu.vector_load %arg6[%get3A_789, %get3A_790] {strides = array<i32>} : memref<128x128xf32, #tpu.memory_space<vmem>>, vector<1x16xf32>,
        %get3A_792 = vector.shape_cast %get3A_791 : vector<1x16xf32> to vector<16xf32>
        %max3A_793 = arith.maximumf %scan3A_774, %get3A_792 : vector<16xf32>
        %add3A_794 = arith.constant 32 : i32
        %add3A_795 = arith.addi %add3A_794, %scan3A_772 : i32
        %get3A_796 = arith.index_cast %add3A_795 : i32 to index
        %get3A_797 = arith.constant 96 : index
        %get3A_798 = tpu.vector_load %arg6[%get3A_796, %get3A_797] {strides = array<i32>} : memref<128x128xf32, #tpu.memory_space<vmem>>, vector<1x16xf32>,
        %get3A_799 = vector.shape_cast %get3A_798 : vector<1x16xf32> to vector<16xf32>
        %max3A_800 = arith.maximumf %scan3A_775, %get3A_799 : vector<16xf32>
        %add3A_801 = arith.constant 48 : i32
        %add3A_802 = arith.addi %add3A_801, %scan3A_772 : i32
        %get3A_803 = arith.index_cast %add3A_802 : i32 to index
        %get3A_804 = arith.constant 96 : index
        %get3A_805 = tpu.vector_load %arg6[%get3A_803, %get3A_804] {strides = array<i32>} : memref<128x128xf32, #tpu.memory_space<vmem>>, vector<1x16xf32>,
        %get3A_806 = vector.shape_cast %get3A_805 : vector<1x16xf32> to vector<16xf32>
        %max3A_807 = arith.maximumf %scan3A_776, %get3A_806 : vector<16xf32>
        %add3A_808 = arith.constant 64 : i32
        %add3A_809 = arith.addi %add3A_808, %scan3A_772 : i32
        %get3A_810 = arith.index_cast %add3A_809 : i32 to index
        %get3A_811 = arith.constant 96 : index
        %get3A_812 = tpu.vector_load %arg6[%get3A_810, %get3A_811] {strides = array<i32>} : memref<128x128xf32, #tpu.memory_space<vmem>>, vector<1x16xf32>,
        %get3A_813 = vector.shape_cast %get3A_812 : vector<1x16xf32> to vector<16xf32>
        %max3A_814 = arith.maximumf %scan3A_777, %get3A_813 : vector<16xf32>
        %add3A_815 = arith.constant 80 : i32
        %add3A_816 = arith.addi %add3A_815, %scan3A_772 : i32
        %get3A_817 = arith.index_cast %add3A_816 : i32 to index
        %get3A_818 = arith.constant 96 : index
        %get3A_819 = tpu.vector_load %arg6[%get3A_817, %get3A_818] {strides = array<i32>} : memref<128x128xf32, #tpu.memory_space<vmem>>, vector<1x16xf32>,
        %get3A_820 = vector.shape_cast %get3A_819 : vector<1x16xf32> to vector<16xf32>
        %max3A_821 = arith.maximumf %scan3A_778, %get3A_820 : vector<16xf32>
        %add3A_822 = arith.constant 96 : i32
        %add3A_823 = arith.addi %add3A_822, %scan3A_772 : i32
        %get3A_824 = arith.index_cast %add3A_823 : i32 to index
        %get3A_825 = arith.constant 96 : index
        %get3A_826 = tpu.vector_load %arg6[%get3A_824, %get3A_825] {strides = array<i32>} : memref<128x128xf32, #tpu.memory_space<vmem>>, vector<1x16xf32>,
        %get3A_827 = vector.shape_cast %get3A_826 : vector<1x16xf32> to vector<16xf32>
        %max3A_828 = arith.maximumf %scan3A_779, %get3A_827 : vector<16xf32>
        %add3A_829 = arith.constant 112 : i32
        %add3A_830 = arith.addi %add3A_829, %scan3A_772 : i32
        %get3A_831 = arith.index_cast %add3A_830 : i32 to index
        %get3A_832 = arith.constant 96 : index
        %get3A_833 = tpu.vector_load %arg6[%get3A_831, %get3A_832] {strides = array<i32>} : memref<128x128xf32, #tpu.memory_space<vmem>>, vector<1x16xf32>,
        %get3A_834 = vector.shape_cast %get3A_833 : vector<1x16xf32> to vector<16xf32>
        %max3A_835 = arith.maximumf %scan3A_780, %get3A_834 : vector<16xf32>
        scf.yield %max3A, %max3A_793, %max3A_800, %max3A_807, %max3A_814, %max3A_821, %max3A_828, %max3A_835 : vector<16xf32>, vector<16xf32>, vector<16xf32>, vector<16xf32>, vector<16xf32>, vector<16xf32>, vector<16xf32>, vector<16xf32>
      }
      %scan3A_626 = arith.constant 15 : i32
      %swap3A_627 = arith.constant 0 : i32
      %swap3A_628 = arith.index_cast %swap3A_627 : i32 to index
      %swap3A_629 = arith.constant 96 : index
      %swap3A_630 = tpu.vector_load %arg7[%swap3A_628, %swap3A_629] {strides = array<i32>} : memref<8x128xf32, #tpu.memory_space<vmem>>, vector<1x16xf32>,
      %swap3A_631 = vector.shape_cast %swap3A_630 : vector<1x16xf32> to vector<16xf32>
      %swap3A_632 = vector.shape_cast %scan3A_625#0 : vector<16xf32> to vector<1x16xf32>
      tpu.vector_store %arg7[%swap3A_628, %swap3A_629], %swap3A_632 {strides = array<i32>} : memref<8x128xf32, #tpu.memory_space<vmem>>, vector<1x16xf32>,
      %swap3A_633 = arith.constant 1 : i32
      %swap3A_634 = arith.index_cast %swap3A_633 : i32 to index
      %swap3A_635 = arith.constant 96 : index
      %swap3A_636 = tpu.vector_load %arg7[%swap3A_634, %swap3A_635] {strides = array<i32>} : memref<8x128xf32, #tpu.memory_space<vmem>>, vector<1x16xf32>,
      %swap3A_637 = vector.shape_cast %swap3A_636 : vector<1x16xf32> to vector<16xf32>
      %swap3A_638 = vector.shape_cast %scan3A_625#1 : vector<16xf32> to vector<1x16xf32>
      tpu.vector_store %arg7[%swap3A_634, %swap3A_635], %swap3A_638 {strides = array<i32>} : memref<8x128xf32, #tpu.memory_space<vmem>>, vector<1x16xf32>,
      %swap3A_639 = arith.constant 2 : i32
      %swap3A_640 = arith.index_cast %swap3A_639 : i32 to index
      %swap3A_641 = arith.constant 96 : index
      %swap3A_642 = tpu.vector_load %arg7[%swap3A_640, %swap3A_641] {strides = array<i32>} : memref<8x128xf32, #tpu.memory_space<vmem>>, vector<1x16xf32>,
      %swap3A_643 = vector.shape_cast %swap3A_642 : vector<1x16xf32> to vector<16xf32>
      %swap3A_644 = vector.shape_cast %scan3A_625#2 : vector<16xf32> to vector<1x16xf32>
      tpu.vector_store %arg7[%swap3A_640, %swap3A_641], %swap3A_644 {strides = array<i32>} : memref<8x128xf32, #tpu.memory_space<vmem>>, vector<1x16xf32>,
      %swap3A_645 = arith.constant 3 : i32
      %swap3A_646 = arith.index_cast %swap3A_645 : i32 to index
      %swap3A_647 = arith.constant 96 : index
      %swap3A_648 = tpu.vector_load %arg7[%swap3A_646, %swap3A_647] {strides = array<i32>} : memref<8x128xf32, #tpu.memory_space<vmem>>, vector<1x16xf32>,
      %swap3A_649 = vector.shape_cast %swap3A_648 : vector<1x16xf32> to vector<16xf32>
      %swap3A_650 = vector.shape_cast %scan3A_625#3 : vector<16xf32> to vector<1x16xf32>
      tpu.vector_store %arg7[%swap3A_646, %swap3A_647], %swap3A_650 {strides = array<i32>} : memref<8x128xf32, #tpu.memory_space<vmem>>, vector<1x16xf32>,
      %swap3A_651 = arith.constant 4 : i32
      %swap3A_652 = arith.index_cast %swap3A_651 : i32 to index
      %swap3A_653 = arith.constant 96 : index
      %swap3A_654 = tpu.vector_load %arg7[%swap3A_652, %swap3A_653] {strides = array<i32>} : memref<8x128xf32, #tpu.memory_space<vmem>>, vector<1x16xf32>,
      %swap3A_655 = vector.shape_cast %swap3A_654 : vector<1x16xf32> to vector<16xf32>
      %swap3A_656 = vector.shape_cast %scan3A_625#4 : vector<16xf32> to vector<1x16xf32>
      tpu.vector_store %arg7[%swap3A_652, %swap3A_653], %swap3A_656 {strides = array<i32>} : memref<8x128xf32, #tpu.memory_space<vmem>>, vector<1x16xf32>,
      %swap3A_657 = arith.constant 5 : i32
      %swap3A_658 = arith.index_cast %swap3A_657 : i32 to index
      %swap3A_659 = arith.constant 96 : index
      %swap3A_660 = tpu.vector_load %arg7[%swap3A_658, %swap3A_659] {strides = array<i32>} : memref<8x128xf32, #tpu.memory_space<vmem>>, vector<1x16xf32>,
      %swap3A_661 = vector.shape_cast %swap3A_660 : vector<1x16xf32> to vector<16xf32>
      %swap3A_662 = vector.shape_cast %scan3A_625#5 : vector<16xf32> to vector<1x16xf32>
      tpu.vector_store %arg7[%swap3A_658, %swap3A_659], %swap3A_662 {strides = array<i32>} : memref<8x128xf32, #tpu.memory_space<vmem>>, vector<1x16xf32>,
      %swap3A_663 = arith.constant 6 : i32
      %swap3A_664 = arith.index_cast %swap3A_663 : i32 to index
      %swap3A_665 = arith.constant 96 : index
      %swap3A_666 = tpu.vector_load %arg7[%swap3A_664, %swap3A_665] {strides = array<i32>} : memref<8x128xf32, #tpu.memory_space<vmem>>, vector<1x16xf32>,
      %swap3A_667 = vector.shape_cast %swap3A_666 : vector<1x16xf32> to vector<16xf32>
      %swap3A_668 = vector.shape_cast %scan3A_625#6 : vector<16xf32> to vector<1x16xf32>
      tpu.vector_store %arg7[%swap3A_664, %swap3A_665], %swap3A_668 {strides = array<i32>} : memref<8x128xf32, #tpu.memory_space<vmem>>, vector<1x16xf32>,
      %swap3A_669 = arith.constant 7 : i32
      %swap3A_670 = arith.index_cast %swap3A_669 : i32 to index
      %swap3A_671 = arith.constant 96 : index
      %swap3A_672 = tpu.vector_load %arg7[%swap3A_670, %swap3A_671] {strides = array<i32>} : memref<8x128xf32, #tpu.memory_space<vmem>>, vector<1x16xf32>,
      %swap3A_673 = vector.shape_cast %swap3A_672 : vector<1x16xf32> to vector<16xf32>
      %swap3A_674 = vector.shape_cast %scan3A_625#7 : vector<16xf32> to vector<1x16xf32>
      tpu.vector_store %arg7[%swap3A_670, %swap3A_671], %swap3A_674 {strides = array<i32>} : memref<8x128xf32, #tpu.memory_space<vmem>>, vector<1x16xf32>,
      %get3A_675 = arith.constant 0 : i32
      %get3A_676 = arith.index_cast %get3A_675 : i32 to index
      %get3A_677 = arith.constant 112 : index
      %get3A_678 = tpu.vector_load %arg6[%get3A_676, %get3A_677] {strides = array<i32>} : memref<128x128xf32, #tpu.memory_space<vmem>>, vector<1x16xf32>,
      %get3A_679 = vector.shape_cast %get3A_678 : vector<1x16xf32> to vector<16xf32>
      %get3A_680 = arith.constant 16 : i32
      %get3A_681 = arith.index_cast %get3A_680 : i32 to index
      %get3A_682 = arith.constant 112 : index
      %get3A_683 = tpu.vector_load %arg6[%get3A_681, %get3A_682] {strides = array<i32>} : memref<128x128xf32, #tpu.memory_space<vmem>>, vector<1x16xf32>,
      %get3A_684 = vector.shape_cast %get3A_683 : vector<1x16xf32> to vector<16xf32>
      %get3A_685 = arith.constant 32 : i32
      %get3A_686 = arith.index_cast %get3A_685 : i32 to index
      %get3A_687 = arith.constant 112 : index
      %get3A_688 = tpu.vector_load %arg6[%get3A_686, %get3A_687] {strides = array<i32>} : memref<128x128xf32, #tpu.memory_space<vmem>>, vector<1x16xf32>,
      %get3A_689 = vector.shape_cast %get3A_688 : vector<1x16xf32> to vector<16xf32>
      %get3A_690 = arith.constant 48 : i32
      %get3A_691 = arith.index_cast %get3A_690 : i32 to index
      %get3A_692 = arith.constant 112 : index
      %get3A_693 = tpu.vector_load %arg6[%get3A_691, %get3A_692] {strides = array<i32>} : memref<128x128xf32, #tpu.memory_space<vmem>>, vector<1x16xf32>,
      %get3A_694 = vector.shape_cast %get3A_693 : vector<1x16xf32> to vector<16xf32>
      %get3A_695 = arith.constant 64 : i32
      %get3A_696 = arith.index_cast %get3A_695 : i32 to index
      %get3A_697 = arith.constant 112 : index
      %get3A_698 = tpu.vector_load %arg6[%get3A_696, %get3A_697] {strides = array<i32>} : memref<128x128xf32, #tpu.memory_space<vmem>>, vector<1x16xf32>,
      %get3A_699 = vector.shape_cast %get3A_698 : vector<1x16xf32> to vector<16xf32>
      %get3A_700 = arith.constant 80 : i32
      %get3A_701 = arith.index_cast %get3A_700 : i32 to index
      %get3A_702 = arith.constant 112 : index
      %get3A_703 = tpu.vector_load %arg6[%get3A_701, %get3A_702] {strides = array<i32>} : memref<128x128xf32, #tpu.memory_space<vmem>>, vector<1x16xf32>,
      %get3A_704 = vector.shape_cast %get3A_703 : vector<1x16xf32> to vector<16xf32>
      %get3A_705 = arith.constant 96 : i32
      %get3A_706 = arith.index_cast %get3A_705 : i32 to index
      %get3A_707 = arith.constant 112 : index
      %get3A_708 = tpu.vector_load %arg6[%get3A_706, %get3A_707] {strides = array<i32>} : memref<128x128xf32, #tpu.memory_space<vmem>>, vector<1x16xf32>,
      %get3A_709 = vector.shape_cast %get3A_708 : vector<1x16xf32> to vector<16xf32>
      %get3A_710 = arith.constant 112 : i32
      %get3A_711 = arith.index_cast %get3A_710 : i32 to index
      %get3A_712 = arith.constant 112 : index
      %get3A_713 = tpu.vector_load %arg6[%get3A_711, %get3A_712] {strides = array<i32>} : memref<128x128xf32, #tpu.memory_space<vmem>>, vector<1x16xf32>,
      %get3A_714 = vector.shape_cast %get3A_713 : vector<1x16xf32> to vector<16xf32>
      %scan3A_715 = arith.constant 1 : i32
      %scan3A_716 = arith.constant 15 : i32
      %scan3A_717 = arith.addi %scan3A_715, %scan3A_716 : i32
      %scan3A_718 = arith.constant 1 : i32
      %scan3A_719:8 = scf.for %scan3A_772 = %scan3A_715 to %scan3A_717 step %scan3A_718 iter_args(%scan3A_773 = %get3A_679, %scan3A_774 = %get3A_684, %scan3A_775 = %get3A_689, %scan3A_776 = %get3A_694, %scan3A_777 = %get3A_699, %scan3A_778 = %get3A_704, %scan3A_779 = %get3A_709, %scan3A_780 = %get3A_714) -> (vector<16xf32>, vector<16xf32>, vector<16xf32>, vector<16xf32>, vector<16xf32>, vector<16xf32>, vector<16xf32>, vector<16xf32>)  : i32 {
        %add3A_781 = arith.constant 0 : i32
        %add3A_782 = arith.addi %add3A_781, %scan3A_772 : i32
        %get3A_783 = arith.index_cast %add3A_782 : i32 to index
        %get3A_784 = arith.constant 112 : index
        %get3A_785 = tpu.vector_load %arg6[%get3A_783, %get3A_784] {strides = array<i32>} : memref<128x128xf32, #tpu.memory_space<vmem>>, vector<1x16xf32>,
        %get3A_786 = vector.shape_cast %get3A_785 : vector<1x16xf32> to vector<16xf32>
        %max3A = arith.maximumf %scan3A_773, %get3A_786 : vector<16xf32>
        %add3A_787 = arith.constant 16 : i32
        %add3A_788 = arith.addi %add3A_787, %scan3A_772 : i32
        %get3A_789 = arith.index_cast %add3A_788 : i32 to index
        %get3A_790 = arith.constant 112 : index
        %get3A_791 = tpu.vector_load %arg6[%get3A_789, %get3A_790] {strides = array<i32>} : memref<128x128xf32, #tpu.memory_space<vmem>>, vector<1x16xf32>,
        %get3A_792 = vector.shape_cast %get3A_791 : vector<1x16xf32> to vector<16xf32>
        %max3A_793 = arith.maximumf %scan3A_774, %get3A_792 : vector<16xf32>
        %add3A_794 = arith.constant 32 : i32
        %add3A_795 = arith.addi %add3A_794, %scan3A_772 : i32
        %get3A_796 = arith.index_cast %add3A_795 : i32 to index
        %get3A_797 = arith.constant 112 : index
        %get3A_798 = tpu.vector_load %arg6[%get3A_796, %get3A_797] {strides = array<i32>} : memref<128x128xf32, #tpu.memory_space<vmem>>, vector<1x16xf32>,
        %get3A_799 = vector.shape_cast %get3A_798 : vector<1x16xf32> to vector<16xf32>
        %max3A_800 = arith.maximumf %scan3A_775, %get3A_799 : vector<16xf32>
        %add3A_801 = arith.constant 48 : i32
        %add3A_802 = arith.addi %add3A_801, %scan3A_772 : i32
        %get3A_803 = arith.index_cast %add3A_802 : i32 to index
        %get3A_804 = arith.constant 112 : index
        %get3A_805 = tpu.vector_load %arg6[%get3A_803, %get3A_804] {strides = array<i32>} : memref<128x128xf32, #tpu.memory_space<vmem>>, vector<1x16xf32>,
        %get3A_806 = vector.shape_cast %get3A_805 : vector<1x16xf32> to vector<16xf32>
        %max3A_807 = arith.maximumf %scan3A_776, %get3A_806 : vector<16xf32>
        %add3A_808 = arith.constant 64 : i32
        %add3A_809 = arith.addi %add3A_808, %scan3A_772 : i32
        %get3A_810 = arith.index_cast %add3A_809 : i32 to index
        %get3A_811 = arith.constant 112 : index
        %get3A_812 = tpu.vector_load %arg6[%get3A_810, %get3A_811] {strides = array<i32>} : memref<128x128xf32, #tpu.memory_space<vmem>>, vector<1x16xf32>,
        %get3A_813 = vector.shape_cast %get3A_812 : vector<1x16xf32> to vector<16xf32>
        %max3A_814 = arith.maximumf %scan3A_777, %get3A_813 : vector<16xf32>
        %add3A_815 = arith.constant 80 : i32
        %add3A_816 = arith.addi %add3A_815, %scan3A_772 : i32
        %get3A_817 = arith.index_cast %add3A_816 : i32 to index
        %get3A_818 = arith.constant 112 : index
        %get3A_819 = tpu.vector_load %arg6[%get3A_817, %get3A_818] {strides = array<i32>} : memref<128x128xf32, #tpu.memory_space<vmem>>, vector<1x16xf32>,
        %get3A_820 = vector.shape_cast %get3A_819 : vector<1x16xf32> to vector<16xf32>
        %max3A_821 = arith.maximumf %scan3A_778, %get3A_820 : vector<16xf32>
        %add3A_822 = arith.constant 96 : i32
        %add3A_823 = arith.addi %add3A_822, %scan3A_772 : i32
        %get3A_824 = arith.index_cast %add3A_823 : i32 to index
        %get3A_825 = arith.constant 112 : index
        %get3A_826 = tpu.vector_load %arg6[%get3A_824, %get3A_825] {strides = array<i32>} : memref<128x128xf32, #tpu.memory_space<vmem>>, vector<1x16xf32>,
        %get3A_827 = vector.shape_cast %get3A_826 : vector<1x16xf32> to vector<16xf32>
        %max3A_828 = arith.maximumf %scan3A_779, %get3A_827 : vector<16xf32>
        %add3A_829 = arith.constant 112 : i32
        %add3A_830 = arith.addi %add3A_829, %scan3A_772 : i32
        %get3A_831 = arith.index_cast %add3A_830 : i32 to index
        %get3A_832 = arith.constant 112 : index
        %get3A_833 = tpu.vector_load %arg6[%get3A_831, %get3A_832] {strides = array<i32>} : memref<128x128xf32, #tpu.memory_space<vmem>>, vector<1x16xf32>,
        %get3A_834 = vector.shape_cast %get3A_833 : vector<1x16xf32> to vector<16xf32>
        %max3A_835 = arith.maximumf %scan3A_780, %get3A_834 : vector<16xf32>
        scf.yield %max3A, %max3A_793, %max3A_800, %max3A_807, %max3A_814, %max3A_821, %max3A_828, %max3A_835 : vector<16xf32>, vector<16xf32>, vector<16xf32>, vector<16xf32>, vector<16xf32>, vector<16xf32>, vector<16xf32>, vector<16xf32>
      }
      %scan3A_720 = arith.constant 15 : i32
      %swap3A_721 = arith.constant 0 : i32
      %swap3A_722 = arith.index_cast %swap3A_721 : i32 to index
      %swap3A_723 = arith.constant 112 : index
      %swap3A_724 = tpu.vector_load %arg7[%swap3A_722, %swap3A_723] {strides = array<i32>} : memref<8x128xf32, #tpu.memory_space<vmem>>, vector<1x16xf32>,
      %swap3A_725 = vector.shape_cast %swap3A_724 : vector<1x16xf32> to vector<16xf32>
      %swap3A_726 = vector.shape_cast %scan3A_719#0 : vector<16xf32> to vector<1x16xf32>
      tpu.vector_store %arg7[%swap3A_722, %swap3A_723], %swap3A_726 {strides = array<i32>} : memref<8x128xf32, #tpu.memory_space<vmem>>, vector<1x16xf32>,
      %swap3A_727 = arith.constant 1 : i32
      %swap3A_728 = arith.index_cast %swap3A_727 : i32 to index
      %swap3A_729 = arith.constant 112 : index
      %swap3A_730 = tpu.vector_load %arg7[%swap3A_728, %swap3A_729] {strides = array<i32>} : memref<8x128xf32, #tpu.memory_space<vmem>>, vector<1x16xf32>,
      %swap3A_731 = vector.shape_cast %swap3A_730 : vector<1x16xf32> to vector<16xf32>
      %swap3A_732 = vector.shape_cast %scan3A_719#1 : vector<16xf32> to vector<1x16xf32>
      tpu.vector_store %arg7[%swap3A_728, %swap3A_729], %swap3A_732 {strides = array<i32>} : memref<8x128xf32, #tpu.memory_space<vmem>>, vector<1x16xf32>,
      %swap3A_733 = arith.constant 2 : i32
      %swap3A_734 = arith.index_cast %swap3A_733 : i32 to index
      %swap3A_735 = arith.constant 112 : index
      %swap3A_736 = tpu.vector_load %arg7[%swap3A_734, %swap3A_735] {strides = array<i32>} : memref<8x128xf32, #tpu.memory_space<vmem>>, vector<1x16xf32>,
      %swap3A_737 = vector.shape_cast %swap3A_736 : vector<1x16xf32> to vector<16xf32>
      %swap3A_738 = vector.shape_cast %scan3A_719#2 : vector<16xf32> to vector<1x16xf32>
      tpu.vector_store %arg7[%swap3A_734, %swap3A_735], %swap3A_738 {strides = array<i32>} : memref<8x128xf32, #tpu.memory_space<vmem>>, vector<1x16xf32>,
      %swap3A_739 = arith.constant 3 : i32
      %swap3A_740 = arith.index_cast %swap3A_739 : i32 to index
      %swap3A_741 = arith.constant 112 : index
      %swap3A_742 = tpu.vector_load %arg7[%swap3A_740, %swap3A_741] {strides = array<i32>} : memref<8x128xf32, #tpu.memory_space<vmem>>, vector<1x16xf32>,
      %swap3A_743 = vector.shape_cast %swap3A_742 : vector<1x16xf32> to vector<16xf32>
      %swap3A_744 = vector.shape_cast %scan3A_719#3 : vector<16xf32> to vector<1x16xf32>
      tpu.vector_store %arg7[%swap3A_740, %swap3A_741], %swap3A_744 {strides = array<i32>} : memref<8x128xf32, #tpu.memory_space<vmem>>, vector<1x16xf32>,
      %swap3A_745 = arith.constant 4 : i32
      %swap3A_746 = arith.index_cast %swap3A_745 : i32 to index
      %swap3A_747 = arith.constant 112 : index
      %swap3A_748 = tpu.vector_load %arg7[%swap3A_746, %swap3A_747] {strides = array<i32>} : memref<8x128xf32, #tpu.memory_space<vmem>>, vector<1x16xf32>,
      %swap3A_749 = vector.shape_cast %swap3A_748 : vector<1x16xf32> to vector<16xf32>
      %swap3A_750 = vector.shape_cast %scan3A_719#4 : vector<16xf32> to vector<1x16xf32>
      tpu.vector_store %arg7[%swap3A_746, %swap3A_747], %swap3A_750 {strides = array<i32>} : memref<8x128xf32, #tpu.memory_space<vmem>>, vector<1x16xf32>,
      %swap3A_751 = arith.constant 5 : i32
      %swap3A_752 = arith.index_cast %swap3A_751 : i32 to index
      %swap3A_753 = arith.constant 112 : index
      %swap3A_754 = tpu.vector_load %arg7[%swap3A_752, %swap3A_753] {strides = array<i32>} : memref<8x128xf32, #tpu.memory_space<vmem>>, vector<1x16xf32>,
      %swap3A_755 = vector.shape_cast %swap3A_754 : vector<1x16xf32> to vector<16xf32>
      %swap3A_756 = vector.shape_cast %scan3A_719#5 : vector<16xf32> to vector<1x16xf32>
      tpu.vector_store %arg7[%swap3A_752, %swap3A_753], %swap3A_756 {strides = array<i32>} : memref<8x128xf32, #tpu.memory_space<vmem>>, vector<1x16xf32>,
      %swap3A_757 = arith.constant 6 : i32
      %swap3A_758 = arith.index_cast %swap3A_757 : i32 to index
      %swap3A_759 = arith.constant 112 : index
      %swap3A_760 = tpu.vector_load %arg7[%swap3A_758, %swap3A_759] {strides = array<i32>} : memref<8x128xf32, #tpu.memory_space<vmem>>, vector<1x16xf32>,
      %swap3A_761 = vector.shape_cast %swap3A_760 : vector<1x16xf32> to vector<16xf32>
      %swap3A_762 = vector.shape_cast %scan3A_719#6 : vector<16xf32> to vector<1x16xf32>
      tpu.vector_store %arg7[%swap3A_758, %swap3A_759], %swap3A_762 {strides = array<i32>} : memref<8x128xf32, #tpu.memory_space<vmem>>, vector<1x16xf32>,
      %swap3A_763 = arith.constant 7 : i32
      %swap3A_764 = arith.index_cast %swap3A_763 : i32 to index
      %swap3A_765 = arith.constant 112 : index
      %swap3A_766 = tpu.vector_load %arg7[%swap3A_764, %swap3A_765] {strides = array<i32>} : memref<8x128xf32, #tpu.memory_space<vmem>>, vector<1x16xf32>,
      %swap3A_767 = vector.shape_cast %swap3A_766 : vector<1x16xf32> to vector<16xf32>
      %swap3A_768 = vector.shape_cast %scan3A_719#7 : vector<16xf32> to vector<1x16xf32>
      tpu.vector_store %arg7[%swap3A_764, %swap3A_765], %swap3A_768 {strides = array<i32>} : memref<8x128xf32, #tpu.memory_space<vmem>>, vector<1x16xf32>,
      %mul3A_769 = arith.constant 8 : i32
      %mul3A_770 = arith.muli %scan3A_10, %mul3A_769 : i32
      %add3A_771 = arith.addi %mul3A_2, %mul3A_770 : i32
      "tpu.region"() ({
        %run_scoped3A = tpu.sem_alloc : memref<!tpu.dma_semaphore, #tpu.memory_space<semaphore_mem>>
        %dma_start3A_772 = arith.constant 0 : i32
        %dma_start3A_773 = tpu.memref_slice %arg4[%add3A_771, %dma_start3A_772] : memref<20480x128xf32, #tpu.memory_space<hbm>> -> memref<8x128xf32, #tpu.memory_space<hbm>>
        %dma_start3A_774 = arith.constant 0 : i32
        %dma_start3A_775 = tpu.memref_slice %arg4[%add3A_771, %dma_start3A_774] : memref<20480x128xf32, #tpu.memory_space<hbm>> -> memref<8x128xf32, #tpu.memory_space<hbm>>
        tpu.enqueue_dma source(%arg7 : memref<8x128xf32, #tpu.memory_space<vmem>>) target(%dma_start3A_775 : memref<8x128xf32, #tpu.memory_space<hbm>>) target_semaphore(%run_scoped3A : memref<!tpu.dma_semaphore, #tpu.memory_space<semaphore_mem>>)
        %dma_wait3A_776 = arith.constant 0 : i32
        %dma_wait3A_777 = tpu.memref_slice %arg4[%add3A_771, %dma_wait3A_776] : memref<20480x128xf32, #tpu.memory_space<hbm>> -> memref<8x128xf32, #tpu.memory_space<hbm>>
        %dma_wait3A_778 = arith.constant 0 : i32
        %dma_wait3A_779 = tpu.memref_slice %arg4[%add3A_771, %dma_wait3A_778] : memref<20480x128xf32, #tpu.memory_space<hbm>> -> memref<8x128xf32, #tpu.memory_space<hbm>>
        tpu.wait_dma2 semaphore(%run_scoped3A : memref<!tpu.dma_semaphore, #tpu.memory_space<semaphore_mem>>) src(%arg7 : memref<8x128xf32, #tpu.memory_space<vmem>>) dst(%dma_wait3A_779 : memref<8x128xf32, #tpu.memory_space<hbm>>)
        tpu.yield
      }) : () -> ()
    }
    %scan3A_9 = arith.constant 80 : i32
    return
  }
}

module attributes {stable_mosaic.version = 14 : i64} {
  func.func @_negdist_body(%arg0: i32, %arg1: i32, %arg2: memref<512x128xf32, #tpu.memory_space<vmem>>, %arg3: memref<1024x128xf32, #tpu.memory_space<vmem>>, %arg4: memref<512x1024xf32, #tpu.memory_space<vmem>>) attributes {dimension_semantics = [#tpu.dimension_semantics<parallel>, #tpu.dimension_semantics<parallel>], iteration_bounds = array<i64: 20, 10>, scalar_prefetch = 0 : i64, scratch_operands = 0 : i64, tpu.core_type = #tpu.core_type<tc>, window_params = [{transform_indices = @transform_0, window_bounds = array<i64: 512, 128>}, {transform_indices = @transform_1, window_bounds = array<i64: 1024, 128>}, {transform_indices = @transform_2, window_bounds = array<i64: 512, 1024>}]} {
    %get3A = arith.constant 0 : index
    %get3A_0 = arith.constant 0 : index
    %get3A_1 = vector.load %arg2[%get3A, %get3A_0] : memref<512x128xf32, #tpu.memory_space<vmem>>, vector<512x128xf32>
    %get3A_2 = arith.constant 0 : index
    %get3A_3 = arith.constant 0 : index
    %get3A_4 = vector.load %arg3[%get3A_2, %get3A_3] : memref<1024x128xf32, #tpu.memory_space<vmem>>, vector<1024x128xf32>
    %convert_element_type3A = arith.truncf %get3A_1 : vector<512x128xf32> to vector<512x128xbf16>
    %convert_element_type3A_5 = arith.truncf %get3A_4 : vector<1024x128xf32> to vector<1024x128xbf16>
    %dot_general3A = arith.constant dense<0.000000e+00> : vector<512x1024xf32>
    %dot_general3A_6 = tpu.matmul %convert_element_type3A, %convert_element_type3A_5, %dot_general3A {dimension_numbers = #tpu.dot_dimension_numbers<[1], [1], [0], [0], [0, 0, 1, 0], [], []>, transpose_lhs_hint = false} : vector<512x128xbf16>, vector<1024x128xbf16>, vector<512x1024xf32> -> vector<512x1024xf32>
    %mul3A = arith.mulf %get3A_1, %get3A_1 : vector<512x128xf32>
    %reduce_sum3A = arith.constant dense<0.000000e+00> : vector<512xf32>
    %reduce_sum3A_7 = vector.multi_reduction <add>, %mul3A, %reduce_sum3A [1] : vector<512x128xf32> to vector<512xf32>
    %broadcast_in_dim3A = vector.shape_cast %reduce_sum3A_7 : vector<512xf32> to vector<512x1xf32>
    %mul3A_8 = arith.mulf %get3A_4, %get3A_4 : vector<1024x128xf32>
    %reduce_sum3A_9 = arith.constant dense<0.000000e+00> : vector<1024xf32>
    %reduce_sum3A_10 = vector.multi_reduction <add>, %mul3A_8, %reduce_sum3A_9 [1] : vector<1024x128xf32> to vector<1024xf32>
    %mul3A_11 = arith.constant 2.000000e+00 : f32
    %mul3A_12 = vector.broadcast %mul3A_11 : f32 to vector<512x1024xf32>
    %mul3A_13 = arith.mulf %mul3A_12, %dot_general3A_6 : vector<512x1024xf32>
    %sub3A = vector.broadcast %broadcast_in_dim3A : vector<512x1xf32> to vector<512x1024xf32>
    %sub3A_14 = arith.subf %mul3A_13, %sub3A : vector<512x1024xf32>
    %broadcast_in_dim3A_15 = vector.shape_cast %reduce_sum3A_10 : vector<1024xf32> to vector<1x1024xf32>
    %sub3A_16 = vector.broadcast %broadcast_in_dim3A_15 : vector<1x1024xf32> to vector<512x1024xf32>
    %sub3A_17 = arith.subf %sub3A_14, %sub3A_16 : vector<512x1024xf32>
    %mul3A_18 = arith.constant 512 : i32
    %mul3A_19 = arith.muli %arg0, %mul3A_18 : i32
    %iota3A = tpu.iota {dimensions = array<i32: 0>} : vector<512x1024xi32>
    %add3A = vector.broadcast %mul3A_19 : i32 to vector<512x1024xi32>
    %add3A_20 = arith.addi %add3A, %iota3A : vector<512x1024xi32>
    %mul3A_21 = arith.constant 1024 : i32
    %mul3A_22 = arith.muli %arg1, %mul3A_21 : i32
    %iota3A_23 = tpu.iota {dimensions = array<i32: 1>} : vector<512x1024xi32>
    %add3A_24 = vector.broadcast %mul3A_22 : i32 to vector<512x1024xi32>
    %add3A_25 = arith.addi %add3A_24, %iota3A_23 : vector<512x1024xi32>
    %eq3A = arith.cmpi eq, %add3A_20, %add3A_25 : vector<512x1024xi32>
    %jit3A = arith.constant 0xFF800000 : f32
    %broadcast_in_dim3A_26 = vector.broadcast %jit3A : f32 to vector<512x1024xf32>
    %select_n3A = arith.select %eq3A, %broadcast_in_dim3A_26, %sub3A_17 : vector<512x1024xi1>, vector<512x1024xf32>
    %swap3A = arith.constant 0 : index
    %swap3A_27 = arith.constant 0 : index
    %swap3A_28 = vector.load %arg4[%swap3A, %swap3A_27] : memref<512x1024xf32, #tpu.memory_space<vmem>>, vector<512x1024xf32>
    tpu.vector_store %arg4[%swap3A, %swap3A_27], %select_n3A {strides = array<i32>} : memref<512x1024xf32, #tpu.memory_space<vmem>>, vector<512x1024xf32>,
    return
  }
  func.func @transform_0(%arg0: i32, %arg1: i32) -> (i32, i32) {
    %c0_i32 = arith.constant 0 : i32
    %c0_i32_0 = arith.constant 0 : i32
    return %arg0, %c0_i32 : i32, i32
  }
  func.func @transform_1(%arg0: i32, %arg1: i32) -> (i32, i32) {
    %c0_i32 = arith.constant 0 : i32
    %c0_i32_0 = arith.constant 0 : i32
    return %arg1, %c0_i32 : i32, i32
  }
  func.func @transform_2(%arg0: i32, %arg1: i32) -> (i32, i32) {
    %c0_i32 = arith.constant 0 : i32
    return %arg0, %arg1 : i32, i32
  }
}

module attributes {stable_mosaic.version = 14 : i64} {
  func.func @_l0_body(%arg0: i32, %arg1: memref<1000x128xf32, #tpu.memory_space<vmem>>, %arg2: memref<128x128xf32, #tpu.memory_space<vmem>>, %arg3: memref<128x128xf32, #tpu.memory_space<vmem>>, %arg4: memref<1x128xf32, #tpu.memory_space<vmem>>, %arg5: memref<128x128xf32, #tpu.memory_space<vmem>>, %arg6: memref<128x128xf32, #tpu.memory_space<vmem>>, %arg7: memref<1x128xf32, #tpu.memory_space<vmem>>, %arg8: memref<1000x128xf32, #tpu.memory_space<vmem>>, %arg9: memref<1000x128xf32, #tpu.memory_space<vmem>>, %arg10: memref<1000x128xf32, #tpu.memory_space<vmem>>, %arg11: memref<1000x128xf32, #tpu.memory_space<vmem>>) attributes {dimension_semantics = [#tpu.dimension_semantics<arbitrary>], iteration_bounds = array<i64: 10>, scalar_prefetch = 0 : i64, scratch_operands = 0 : i64, tpu.core_type = #tpu.core_type<tc>, window_params = [{transform_indices = @transform_0, window_bounds = array<i64: 1000, 128>}, {pipeline_mode = #tpu.pipeline_mode<synchronous>, transform_indices = @transform_1, window_bounds = array<i64: 128, 128>}, {pipeline_mode = #tpu.pipeline_mode<synchronous>, transform_indices = @transform_2, window_bounds = array<i64: 128, 128>}, {pipeline_mode = #tpu.pipeline_mode<synchronous>, transform_indices = @transform_3, window_bounds = array<i64: 1, 128>}, {pipeline_mode = #tpu.pipeline_mode<synchronous>, transform_indices = @transform_4, window_bounds = array<i64: 128, 128>}, {pipeline_mode = #tpu.pipeline_mode<synchronous>, transform_indices = @transform_5, window_bounds = array<i64: 128, 128>}, {pipeline_mode = #tpu.pipeline_mode<synchronous>, transform_indices = @transform_6, window_bounds = array<i64: 1, 128>}, {transform_indices = @transform_7, window_bounds = array<i64: 1000, 128>}, {transform_indices = @transform_8, window_bounds = array<i64: 1000, 128>}, {transform_indices = @transform_9, window_bounds = array<i64: 1000, 128>}, {transform_indices = @transform_10, window_bounds = array<i64: 1000, 128>}]} {
    %get3A = arith.constant 0 : index
    %get3A_0 = arith.constant 0 : index
    %get3A_1 = vector.load %arg1[%get3A, %get3A_0] : memref<1000x128xf32, #tpu.memory_space<vmem>>, vector<1000x128xf32>
    %get3A_2 = arith.constant 0 : index
    %get3A_3 = arith.constant 0 : index
    %get3A_4 = vector.load %arg2[%get3A_2, %get3A_3] : memref<128x128xf32, #tpu.memory_space<vmem>>, vector<128x128xf32>
    %dot_general3A = arith.constant dense<0.000000e+00> : vector<1000x128xf32>
    %dot_general3A_5 = tpu.matmul %get3A_1, %get3A_4, %dot_general3A {dimension_numbers = #tpu.dot_dimension_numbers<[1], [0], [0], [1], [0, 0, 1, 1], [], []>, precision = #tpu.contract_precision<fp32>, transpose_lhs_hint = false} : vector<1000x128xf32>, vector<128x128xf32>, vector<1000x128xf32> -> vector<1000x128xf32>
    %get3A_6 = arith.constant 0 : index
    %get3A_7 = arith.constant 0 : index
    %get3A_8 = vector.load %arg4[%get3A_6, %get3A_7] : memref<1x128xf32, #tpu.memory_space<vmem>>, vector<1x128xf32>
    %add3A = vector.broadcast %get3A_8 : vector<1x128xf32> to vector<1000x128xf32>
    %add3A_9 = arith.addf %dot_general3A_5, %add3A : vector<1000x128xf32>
    %swap3A = arith.constant 0 : index
    %swap3A_10 = arith.constant 0 : index
    %swap3A_11 = vector.load %arg8[%swap3A, %swap3A_10] : memref<1000x128xf32, #tpu.memory_space<vmem>>, vector<1000x128xf32>
    tpu.vector_store %arg8[%swap3A, %swap3A_10], %add3A_9 {strides = array<i32>} : memref<1000x128xf32, #tpu.memory_space<vmem>>, vector<1000x128xf32>,
    %get3A_12 = arith.constant 0 : index
    %get3A_13 = arith.constant 0 : index
    %get3A_14 = vector.load %arg3[%get3A_12, %get3A_13] : memref<128x128xf32, #tpu.memory_space<vmem>>, vector<128x128xf32>
    %dot_general3A_15 = arith.constant dense<0.000000e+00> : vector<1000x128xf32>
    %dot_general3A_16 = tpu.matmul %get3A_1, %get3A_14, %dot_general3A_15 {dimension_numbers = #tpu.dot_dimension_numbers<[1], [0], [0], [1], [0, 0, 1, 1], [], []>, precision = #tpu.contract_precision<fp32>, transpose_lhs_hint = false} : vector<1000x128xf32>, vector<128x128xf32>, vector<1000x128xf32> -> vector<1000x128xf32>
    %swap3A_17 = arith.constant 0 : index
    %swap3A_18 = arith.constant 0 : index
    %swap3A_19 = vector.load %arg9[%swap3A_17, %swap3A_18] : memref<1000x128xf32, #tpu.memory_space<vmem>>, vector<1000x128xf32>
    tpu.vector_store %arg9[%swap3A_17, %swap3A_18], %dot_general3A_16 {strides = array<i32>} : memref<1000x128xf32, #tpu.memory_space<vmem>>, vector<1000x128xf32>,
    %get3A_20 = arith.constant 0 : index
    %get3A_21 = arith.constant 0 : index
    %get3A_22 = vector.load %arg5[%get3A_20, %get3A_21] : memref<128x128xf32, #tpu.memory_space<vmem>>, vector<128x128xf32>
    %dot_general3A_23 = arith.constant dense<0.000000e+00> : vector<1000x128xf32>
    %dot_general3A_24 = tpu.matmul %get3A_1, %get3A_22, %dot_general3A_23 {dimension_numbers = #tpu.dot_dimension_numbers<[1], [0], [0], [1], [0, 0, 1, 1], [], []>, precision = #tpu.contract_precision<fp32>, transpose_lhs_hint = false} : vector<1000x128xf32>, vector<128x128xf32>, vector<1000x128xf32> -> vector<1000x128xf32>
    %get3A_25 = arith.constant 0 : index
    %get3A_26 = arith.constant 0 : index
    %get3A_27 = vector.load %arg7[%get3A_25, %get3A_26] : memref<1x128xf32, #tpu.memory_space<vmem>>, vector<1x128xf32>
    %add3A_28 = vector.broadcast %get3A_27 : vector<1x128xf32> to vector<1000x128xf32>
    %add3A_29 = arith.addf %dot_general3A_24, %add3A_28 : vector<1000x128xf32>
    %swap3A_30 = arith.constant 0 : index
    %swap3A_31 = arith.constant 0 : index
    %swap3A_32 = vector.load %arg10[%swap3A_30, %swap3A_31] : memref<1000x128xf32, #tpu.memory_space<vmem>>, vector<1000x128xf32>
    tpu.vector_store %arg10[%swap3A_30, %swap3A_31], %add3A_29 {strides = array<i32>} : memref<1000x128xf32, #tpu.memory_space<vmem>>, vector<1000x128xf32>,
    %get3A_33 = arith.constant 0 : index
    %get3A_34 = arith.constant 0 : index
    %get3A_35 = vector.load %arg6[%get3A_33, %get3A_34] : memref<128x128xf32, #tpu.memory_space<vmem>>, vector<128x128xf32>
    %dot_general3A_36 = arith.constant dense<0.000000e+00> : vector<1000x128xf32>
    %dot_general3A_37 = tpu.matmul %get3A_1, %get3A_35, %dot_general3A_36 {dimension_numbers = #tpu.dot_dimension_numbers<[1], [0], [0], [1], [0, 0, 1, 1], [], []>, precision = #tpu.contract_precision<fp32>, transpose_lhs_hint = false} : vector<1000x128xf32>, vector<128x128xf32>, vector<1000x128xf32> -> vector<1000x128xf32>
    %swap3A_38 = arith.constant 0 : index
    %swap3A_39 = arith.constant 0 : index
    %swap3A_40 = vector.load %arg11[%swap3A_38, %swap3A_39] : memref<1000x128xf32, #tpu.memory_space<vmem>>, vector<1000x128xf32>
    tpu.vector_store %arg11[%swap3A_38, %swap3A_39], %dot_general3A_37 {strides = array<i32>} : memref<1000x128xf32, #tpu.memory_space<vmem>>, vector<1000x128xf32>,
    return
  }
  func.func @transform_0(%arg0: i32) -> (i32, i32) {
    %c0_i32 = arith.constant 0 : i32
    %c0_i32_0 = arith.constant 0 : i32
    return %arg0, %c0_i32 : i32, i32
  }
  func.func @transform_1(%arg0: i32) -> (i32, i32) {
    %c0_i32 = arith.constant 0 : i32
    %c0_i32_0 = arith.constant 0 : i32
    %c0_i32_1 = arith.constant 0 : i32
    return %c0_i32, %c0_i32_0 : i32, i32
  }
  func.func @transform_2(%arg0: i32) -> (i32, i32) {
    %c0_i32 = arith.constant 0 : i32
    %c0_i32_0 = arith.constant 0 : i32
    %c0_i32_1 = arith.constant 0 : i32
    return %c0_i32, %c0_i32_0 : i32, i32
  }
  func.func @transform_3(%arg0: i32) -> (i32, i32) {
    %c0_i32 = arith.constant 0 : i32
    %c0_i32_0 = arith.constant 0 : i32
    %c0_i32_1 = arith.constant 0 : i32
    return %c0_i32, %c0_i32_0 : i32, i32
  }
  func.func @transform_4(%arg0: i32) -> (i32, i32) {
    %c0_i32 = arith.constant 0 : i32
    %c0_i32_0 = arith.constant 0 : i32
    %c0_i32_1 = arith.constant 0 : i32
    return %c0_i32, %c0_i32_0 : i32, i32
  }
  func.func @transform_5(%arg0: i32) -> (i32, i32) {
    %c0_i32 = arith.constant 0 : i32
    %c0_i32_0 = arith.constant 0 : i32
    %c0_i32_1 = arith.constant 0 : i32
    return %c0_i32, %c0_i32_0 : i32, i32
  }
  func.func @transform_6(%arg0: i32) -> (i32, i32) {
    %c0_i32 = arith.constant 0 : i32
    %c0_i32_0 = arith.constant 0 : i32
    %c0_i32_1 = arith.constant 0 : i32
    return %c0_i32, %c0_i32_0 : i32, i32
  }
  func.func @transform_7(%arg0: i32) -> (i32, i32) {
    %c0_i32 = arith.constant 0 : i32
    %c0_i32_0 = arith.constant 0 : i32
    return %arg0, %c0_i32 : i32, i32
  }
  func.func @transform_8(%arg0: i32) -> (i32, i32) {
    %c0_i32 = arith.constant 0 : i32
    %c0_i32_0 = arith.constant 0 : i32
    return %arg0, %c0_i32 : i32, i32
  }
  func.func @transform_9(%arg0: i32) -> (i32, i32) {
    %c0_i32 = arith.constant 0 : i32
    %c0_i32_0 = arith.constant 0 : i32
    return %arg0, %c0_i32 : i32, i32
  }
  func.func @transform_10(%arg0: i32) -> (i32, i32) {
    %c0_i32 = arith.constant 0 : i32
    %c0_i32_0 = arith.constant 0 : i32
    return %arg0, %c0_i32 : i32, i32
  }
}

module attributes {stable_mosaic.version = 14 : i64} {
  func.func @_l1_body(%arg0: i32, %arg1: memref<1000x128xf32, #tpu.memory_space<vmem>>, %arg2: memref<1000x128xf32, #tpu.memory_space<vmem>>, %arg3: memref<1000x128xf32, #tpu.memory_space<vmem>>, %arg4: memref<1000x128xf32, #tpu.memory_space<vmem>>, %arg5: memref<1000x128xf32, #tpu.memory_space<vmem>>, %arg6: memref<128x128xf32, #tpu.memory_space<vmem>>, %arg7: memref<128x128xf32, #tpu.memory_space<vmem>>, %arg8: memref<128x128xf32, #tpu.memory_space<vmem>>, %arg9: memref<128x128xf32, #tpu.memory_space<vmem>>, %arg10: memref<1x128xf32, #tpu.memory_space<vmem>>, %arg11: memref<128x128xf32, #tpu.memory_space<vmem>>, %arg12: memref<128x128xf32, #tpu.memory_space<vmem>>, %arg13: memref<128x128xf32, #tpu.memory_space<vmem>>, %arg14: memref<128x128xf32, #tpu.memory_space<vmem>>, %arg15: memref<1x128xf32, #tpu.memory_space<vmem>>, %arg16: memref<1000x128xf32, #tpu.memory_space<vmem>>, %arg17: memref<1000x128xf32, #tpu.memory_space<vmem>>, %arg18: memref<1000x128xf32, #tpu.memory_space<vmem>>, %arg19: memref<1000x128xf32, #tpu.memory_space<vmem>>) attributes {dimension_semantics = [#tpu.dimension_semantics<arbitrary>], iteration_bounds = array<i64: 10>, scalar_prefetch = 0 : i64, scratch_operands = 0 : i64, tpu.core_type = #tpu.core_type<tc>, window_params = [{transform_indices = @transform_0, window_bounds = array<i64: 1000, 128>}, {transform_indices = @transform_1, window_bounds = array<i64: 1000, 128>}, {transform_indices = @transform_2, window_bounds = array<i64: 1000, 128>}, {transform_indices = @transform_3, window_bounds = array<i64: 1000, 128>}, {transform_indices = @transform_4, window_bounds = array<i64: 1000, 128>}, {pipeline_mode = #tpu.pipeline_mode<synchronous>, transform_indices = @transform_5, window_bounds = array<i64: 128, 128>}, {pipeline_mode = #tpu.pipeline_mode<synchronous>, transform_indices = @transform_6, window_bounds = array<i64: 128, 128>}, {pipeline_mode = #tpu.pipeline_mode<synchronous>, transform_indices = @transform_7, window_bounds = array<i64: 128, 128>}, {pipeline_mode = #tpu.pipeline_mode<synchronous>, transform_indices = @transform_8, window_bounds = array<i64: 128, 128>}, {pipeline_mode = #tpu.pipeline_mode<synchronous>, transform_indices = @transform_9, window_bounds = array<i64: 1, 128>}, {pipeline_mode = #tpu.pipeline_mode<synchronous>, transform_indices = @transform_10, window_bounds = array<i64: 128, 128>}, {pipeline_mode = #tpu.pipeline_mode<synchronous>, transform_indices = @transform_11, window_bounds = array<i64: 128, 128>}, {pipeline_mode = #tpu.pipeline_mode<synchronous>, transform_indices = @transform_12, window_bounds = array<i64: 128, 128>}, {pipeline_mode = #tpu.pipeline_mode<synchronous>, transform_indices = @transform_13, window_bounds = array<i64: 128, 128>}, {pipeline_mode = #tpu.pipeline_mode<synchronous>, transform_indices = @transform_14, window_bounds = array<i64: 1, 128>}, {transform_indices = @transform_15, window_bounds = array<i64: 1000, 128>}, {transform_indices = @transform_16, window_bounds = array<i64: 1000, 128>}, {transform_indices = @transform_17, window_bounds = array<i64: 1000, 128>}, {transform_indices = @transform_18, window_bounds = array<i64: 1000, 128>}]} {
    %get3A = arith.constant 0 : index
    %get3A_0 = arith.constant 0 : index
    %get3A_1 = vector.load %arg1[%get3A, %get3A_0] : memref<1000x128xf32, #tpu.memory_space<vmem>>, vector<1000x128xf32>
    %get3A_2 = arith.constant 0 : index
    %get3A_3 = arith.constant 0 : index
    %get3A_4 = vector.load %arg2[%get3A_2, %get3A_3] : memref<1000x128xf32, #tpu.memory_space<vmem>>, vector<1000x128xf32>
    %get3A_5 = arith.constant 0 : index
    %get3A_6 = arith.constant 0 : index
    %get3A_7 = vector.load %arg3[%get3A_5, %get3A_6] : memref<1000x128xf32, #tpu.memory_space<vmem>>, vector<1000x128xf32>
    %add3A = arith.addf %get3A_4, %get3A_7 : vector<1000x128xf32>
    %jit3A = arith.constant 2.000000e-01 : f32
    %ge3A = arith.constant 0.000000e+00 : f32
    %ge3A_8 = vector.broadcast %ge3A : f32 to vector<1000x128xf32>
    %ge3A_9 = arith.cmpf oge, %add3A, %ge3A_8 : vector<1000x128xf32>
    %mul3A = vector.broadcast %jit3A : f32 to vector<1000x128xf32>
    %mul3A_10 = arith.mulf %mul3A, %add3A : vector<1000x128xf32>
    %select_n3A = arith.select %ge3A_9, %add3A, %mul3A_10 : vector<1000x128xi1>, vector<1000x128xf32>
    %get3A_11 = arith.constant 0 : index
    %get3A_12 = arith.constant 0 : index
    %get3A_13 = vector.load %arg4[%get3A_11, %get3A_12] : memref<1000x128xf32, #tpu.memory_space<vmem>>, vector<1000x128xf32>
    %get3A_14 = arith.constant 0 : index
    %get3A_15 = arith.constant 0 : index
    %get3A_16 = vector.load %arg5[%get3A_14, %get3A_15] : memref<1000x128xf32, #tpu.memory_space<vmem>>, vector<1000x128xf32>
    %add3A_17 = arith.addf %get3A_13, %get3A_16 : vector<1000x128xf32>
    %jit3A_18 = arith.constant 2.000000e-01 : f32
    %ge3A_19 = arith.constant 0.000000e+00 : f32
    %ge3A_20 = vector.broadcast %ge3A_19 : f32 to vector<1000x128xf32>
    %ge3A_21 = arith.cmpf oge, %add3A_17, %ge3A_20 : vector<1000x128xf32>
    %mul3A_22 = vector.broadcast %jit3A_18 : f32 to vector<1000x128xf32>
    %mul3A_23 = arith.mulf %mul3A_22, %add3A_17 : vector<1000x128xf32>
    %select_n3A_24 = arith.select %ge3A_21, %add3A_17, %mul3A_23 : vector<1000x128xi1>, vector<1000x128xf32>
    %get3A_25 = arith.constant 0 : index
    %get3A_26 = arith.constant 0 : index
    %get3A_27 = vector.load %arg6[%get3A_25, %get3A_26] : memref<128x128xf32, #tpu.memory_space<vmem>>, vector<128x128xf32>
    %dot_general3A = arith.constant dense<0.000000e+00> : vector<1000x128xf32>
    %dot_general3A_28 = tpu.matmul %get3A_1, %get3A_27, %dot_general3A {dimension_numbers = #tpu.dot_dimension_numbers<[1], [0], [0], [1], [0, 0, 1, 1], [], []>, precision = #tpu.contract_precision<fp32>, transpose_lhs_hint = false} : vector<1000x128xf32>, vector<128x128xf32>, vector<1000x128xf32> -> vector<1000x128xf32>
    %get3A_29 = arith.constant 0 : index
    %get3A_30 = arith.constant 0 : index
    %get3A_31 = vector.load %arg7[%get3A_29, %get3A_30] : memref<128x128xf32, #tpu.memory_space<vmem>>, vector<128x128xf32>
    %dot_general3A_32 = arith.constant dense<0.000000e+00> : vector<1000x128xf32>
    %dot_general3A_33 = tpu.matmul %select_n3A, %get3A_31, %dot_general3A_32 {dimension_numbers = #tpu.dot_dimension_numbers<[1], [0], [0], [1], [0, 0, 1, 1], [], []>, precision = #tpu.contract_precision<fp32>, transpose_lhs_hint = false} : vector<1000x128xf32>, vector<128x128xf32>, vector<1000x128xf32> -> vector<1000x128xf32>
    %add3A_34 = arith.addf %dot_general3A_28, %dot_general3A_33 : vector<1000x128xf32>
    %get3A_35 = arith.constant 0 : index
    %get3A_36 = arith.constant 0 : index
    %get3A_37 = vector.load %arg10[%get3A_35, %get3A_36] : memref<1x128xf32, #tpu.memory_space<vmem>>, vector<1x128xf32>
    %add3A_38 = vector.broadcast %get3A_37 : vector<1x128xf32> to vector<1000x128xf32>
    %add3A_39 = arith.addf %add3A_34, %add3A_38 : vector<1000x128xf32>
    %swap3A = arith.constant 0 : index
    %swap3A_40 = arith.constant 0 : index
    %swap3A_41 = vector.load %arg16[%swap3A, %swap3A_40] : memref<1000x128xf32, #tpu.memory_space<vmem>>, vector<1000x128xf32>
    tpu.vector_store %arg16[%swap3A, %swap3A_40], %add3A_39 {strides = array<i32>} : memref<1000x128xf32, #tpu.memory_space<vmem>>, vector<1000x128xf32>,
    %get3A_42 = arith.constant 0 : index
    %get3A_43 = arith.constant 0 : index
    %get3A_44 = vector.load %arg8[%get3A_42, %get3A_43] : memref<128x128xf32, #tpu.memory_space<vmem>>, vector<128x128xf32>
    %dot_general3A_45 = arith.constant dense<0.000000e+00> : vector<1000x128xf32>
    %dot_general3A_46 = tpu.matmul %get3A_1, %get3A_44, %dot_general3A_45 {dimension_numbers = #tpu.dot_dimension_numbers<[1], [0], [0], [1], [0, 0, 1, 1], [], []>, precision = #tpu.contract_precision<fp32>, transpose_lhs_hint = false} : vector<1000x128xf32>, vector<128x128xf32>, vector<1000x128xf32> -> vector<1000x128xf32>
    %get3A_47 = arith.constant 0 : index
    %get3A_48 = arith.constant 0 : index
    %get3A_49 = vector.load %arg9[%get3A_47, %get3A_48] : memref<128x128xf32, #tpu.memory_space<vmem>>, vector<128x128xf32>
    %dot_general3A_50 = arith.constant dense<0.000000e+00> : vector<1000x128xf32>
    %dot_general3A_51 = tpu.matmul %select_n3A, %get3A_49, %dot_general3A_50 {dimension_numbers = #tpu.dot_dimension_numbers<[1], [0], [0], [1], [0, 0, 1, 1], [], []>, precision = #tpu.contract_precision<fp32>, transpose_lhs_hint = false} : vector<1000x128xf32>, vector<128x128xf32>, vector<1000x128xf32> -> vector<1000x128xf32>
    %add3A_52 = arith.addf %dot_general3A_46, %dot_general3A_51 : vector<1000x128xf32>
    %swap3A_53 = arith.constant 0 : index
    %swap3A_54 = arith.constant 0 : index
    %swap3A_55 = vector.load %arg17[%swap3A_53, %swap3A_54] : memref<1000x128xf32, #tpu.memory_space<vmem>>, vector<1000x128xf32>
    tpu.vector_store %arg17[%swap3A_53, %swap3A_54], %add3A_52 {strides = array<i32>} : memref<1000x128xf32, #tpu.memory_space<vmem>>, vector<1000x128xf32>,
    %get3A_56 = arith.constant 0 : index
    %get3A_57 = arith.constant 0 : index
    %get3A_58 = vector.load %arg11[%get3A_56, %get3A_57] : memref<128x128xf32, #tpu.memory_space<vmem>>, vector<128x128xf32>
    %dot_general3A_59 = arith.constant dense<0.000000e+00> : vector<1000x128xf32>
    %dot_general3A_60 = tpu.matmul %get3A_1, %get3A_58, %dot_general3A_59 {dimension_numbers = #tpu.dot_dimension_numbers<[1], [0], [0], [1], [0, 0, 1, 1], [], []>, precision = #tpu.contract_precision<fp32>, transpose_lhs_hint = false} : vector<1000x128xf32>, vector<128x128xf32>, vector<1000x128xf32> -> vector<1000x128xf32>
    %get3A_61 = arith.constant 0 : index
    %get3A_62 = arith.constant 0 : index
    %get3A_63 = vector.load %arg12[%get3A_61, %get3A_62] : memref<128x128xf32, #tpu.memory_space<vmem>>, vector<128x128xf32>
    %dot_general3A_64 = arith.constant dense<0.000000e+00> : vector<1000x128xf32>
    %dot_general3A_65 = tpu.matmul %select_n3A_24, %get3A_63, %dot_general3A_64 {dimension_numbers = #tpu.dot_dimension_numbers<[1], [0], [0], [1], [0, 0, 1, 1], [], []>, precision = #tpu.contract_precision<fp32>, transpose_lhs_hint = false} : vector<1000x128xf32>, vector<128x128xf32>, vector<1000x128xf32> -> vector<1000x128xf32>
    %add3A_66 = arith.addf %dot_general3A_60, %dot_general3A_65 : vector<1000x128xf32>
    %get3A_67 = arith.constant 0 : index
    %get3A_68 = arith.constant 0 : index
    %get3A_69 = vector.load %arg15[%get3A_67, %get3A_68] : memref<1x128xf32, #tpu.memory_space<vmem>>, vector<1x128xf32>
    %add3A_70 = vector.broadcast %get3A_69 : vector<1x128xf32> to vector<1000x128xf32>
    %add3A_71 = arith.addf %add3A_66, %add3A_70 : vector<1000x128xf32>
    %swap3A_72 = arith.constant 0 : index
    %swap3A_73 = arith.constant 0 : index
    %swap3A_74 = vector.load %arg18[%swap3A_72, %swap3A_73] : memref<1000x128xf32, #tpu.memory_space<vmem>>, vector<1000x128xf32>
    tpu.vector_store %arg18[%swap3A_72, %swap3A_73], %add3A_71 {strides = array<i32>} : memref<1000x128xf32, #tpu.memory_space<vmem>>, vector<1000x128xf32>,
    %get3A_75 = arith.constant 0 : index
    %get3A_76 = arith.constant 0 : index
    %get3A_77 = vector.load %arg13[%get3A_75, %get3A_76] : memref<128x128xf32, #tpu.memory_space<vmem>>, vector<128x128xf32>
    %dot_general3A_78 = arith.constant dense<0.000000e+00> : vector<1000x128xf32>
    %dot_general3A_79 = tpu.matmul %get3A_1, %get3A_77, %dot_general3A_78 {dimension_numbers = #tpu.dot_dimension_numbers<[1], [0], [0], [1], [0, 0, 1, 1], [], []>, precision = #tpu.contract_precision<fp32>, transpose_lhs_hint = false} : vector<1000x128xf32>, vector<128x128xf32>, vector<1000x128xf32> -> vector<1000x128xf32>
    %get3A_80 = arith.constant 0 : index
    %get3A_81 = arith.constant 0 : index
    %get3A_82 = vector.load %arg14[%get3A_80, %get3A_81] : memref<128x128xf32, #tpu.memory_space<vmem>>, vector<128x128xf32>
    %dot_general3A_83 = arith.constant dense<0.000000e+00> : vector<1000x128xf32>
    %dot_general3A_84 = tpu.matmul %select_n3A_24, %get3A_82, %dot_general3A_83 {dimension_numbers = #tpu.dot_dimension_numbers<[1], [0], [0], [1], [0, 0, 1, 1], [], []>, precision = #tpu.contract_precision<fp32>, transpose_lhs_hint = false} : vector<1000x128xf32>, vector<128x128xf32>, vector<1000x128xf32> -> vector<1000x128xf32>
    %add3A_85 = arith.addf %dot_general3A_79, %dot_general3A_84 : vector<1000x128xf32>
    %swap3A_86 = arith.constant 0 : index
    %swap3A_87 = arith.constant 0 : index
    %swap3A_88 = vector.load %arg19[%swap3A_86, %swap3A_87] : memref<1000x128xf32, #tpu.memory_space<vmem>>, vector<1000x128xf32>
    tpu.vector_store %arg19[%swap3A_86, %swap3A_87], %add3A_85 {strides = array<i32>} : memref<1000x128xf32, #tpu.memory_space<vmem>>, vector<1000x128xf32>,
    return
  }
  func.func @transform_0(%arg0: i32) -> (i32, i32) {
    %c0_i32 = arith.constant 0 : i32
    %c0_i32_0 = arith.constant 0 : i32
    return %arg0, %c0_i32 : i32, i32
  }
  func.func @transform_1(%arg0: i32) -> (i32, i32) {
    %c0_i32 = arith.constant 0 : i32
    %c0_i32_0 = arith.constant 0 : i32
    return %arg0, %c0_i32 : i32, i32
  }
  func.func @transform_2(%arg0: i32) -> (i32, i32) {
    %c0_i32 = arith.constant 0 : i32
    %c0_i32_0 = arith.constant 0 : i32
    return %arg0, %c0_i32 : i32, i32
  }
  func.func @transform_3(%arg0: i32) -> (i32, i32) {
    %c0_i32 = arith.constant 0 : i32
    %c0_i32_0 = arith.constant 0 : i32
    return %arg0, %c0_i32 : i32, i32
  }
  func.func @transform_4(%arg0: i32) -> (i32, i32) {
    %c0_i32 = arith.constant 0 : i32
    %c0_i32_0 = arith.constant 0 : i32
    return %arg0, %c0_i32 : i32, i32
  }
  func.func @transform_5(%arg0: i32) -> (i32, i32) {
    %c0_i32 = arith.constant 0 : i32
    %c0_i32_0 = arith.constant 0 : i32
    %c0_i32_1 = arith.constant 0 : i32
    return %c0_i32, %c0_i32_0 : i32, i32
  }
  func.func @transform_6(%arg0: i32) -> (i32, i32) {
    %c0_i32 = arith.constant 0 : i32
    %c0_i32_0 = arith.constant 0 : i32
    %c0_i32_1 = arith.constant 0 : i32
    return %c0_i32, %c0_i32_0 : i32, i32
  }
  func.func @transform_7(%arg0: i32) -> (i32, i32) {
    %c0_i32 = arith.constant 0 : i32
    %c0_i32_0 = arith.constant 0 : i32
    %c0_i32_1 = arith.constant 0 : i32
    return %c0_i32, %c0_i32_0 : i32, i32
  }
  func.func @transform_8(%arg0: i32) -> (i32, i32) {
    %c0_i32 = arith.constant 0 : i32
    %c0_i32_0 = arith.constant 0 : i32
    %c0_i32_1 = arith.constant 0 : i32
    return %c0_i32, %c0_i32_0 : i32, i32
  }
  func.func @transform_9(%arg0: i32) -> (i32, i32) {
    %c0_i32 = arith.constant 0 : i32
    %c0_i32_0 = arith.constant 0 : i32
    %c0_i32_1 = arith.constant 0 : i32
    return %c0_i32, %c0_i32_0 : i32, i32
  }
  func.func @transform_10(%arg0: i32) -> (i32, i32) {
    %c0_i32 = arith.constant 0 : i32
    %c0_i32_0 = arith.constant 0 : i32
    %c0_i32_1 = arith.constant 0 : i32
    return %c0_i32, %c0_i32_0 : i32, i32
  }
  func.func @transform_11(%arg0: i32) -> (i32, i32) {
    %c0_i32 = arith.constant 0 : i32
    %c0_i32_0 = arith.constant 0 : i32
    %c0_i32_1 = arith.constant 0 : i32
    return %c0_i32, %c0_i32_0 : i32, i32
  }
  func.func @transform_12(%arg0: i32) -> (i32, i32) {
    %c0_i32 = arith.constant 0 : i32
    %c0_i32_0 = arith.constant 0 : i32
    %c0_i32_1 = arith.constant 0 : i32
    return %c0_i32, %c0_i32_0 : i32, i32
  }
  func.func @transform_13(%arg0: i32) -> (i32, i32) {
    %c0_i32 = arith.constant 0 : i32
    %c0_i32_0 = arith.constant 0 : i32
    %c0_i32_1 = arith.constant 0 : i32
    return %c0_i32, %c0_i32_0 : i32, i32
  }
  func.func @transform_14(%arg0: i32) -> (i32, i32) {
    %c0_i32 = arith.constant 0 : i32
    %c0_i32_0 = arith.constant 0 : i32
    %c0_i32_1 = arith.constant 0 : i32
    return %c0_i32, %c0_i32_0 : i32, i32
  }
  func.func @transform_15(%arg0: i32) -> (i32, i32) {
    %c0_i32 = arith.constant 0 : i32
    %c0_i32_0 = arith.constant 0 : i32
    return %arg0, %c0_i32 : i32, i32
  }
  func.func @transform_16(%arg0: i32) -> (i32, i32) {
    %c0_i32 = arith.constant 0 : i32
    %c0_i32_0 = arith.constant 0 : i32
    return %arg0, %c0_i32 : i32, i32
  }
  func.func @transform_17(%arg0: i32) -> (i32, i32) {
    %c0_i32 = arith.constant 0 : i32
    %c0_i32_0 = arith.constant 0 : i32
    return %arg0, %c0_i32 : i32, i32
  }
  func.func @transform_18(%arg0: i32) -> (i32, i32) {
    %c0_i32 = arith.constant 0 : i32
    %c0_i32_0 = arith.constant 0 : i32
    return %arg0, %c0_i32 : i32, i32
  }
}

module attributes {stable_mosaic.version = 14 : i64} {
  func.func @_tail_body(%arg0: i32, %arg1: memref<1000x128xf32, #tpu.memory_space<vmem>>, %arg2: memref<1000x128xf32, #tpu.memory_space<vmem>>, %arg3: memref<1000x128xf32, #tpu.memory_space<vmem>>, %arg4: memref<1000x128xf32, #tpu.memory_space<vmem>>, %arg5: memref<1000x128xf32, #tpu.memory_space<vmem>>, %arg6: memref<1000x128xf32, #tpu.memory_space<vmem>>, %arg7: memref<1000x128xf32, #tpu.memory_space<vmem>>, %arg8: memref<1000x128xf32, #tpu.memory_space<vmem>>, %arg9: memref<1000x128xf32, #tpu.memory_space<vmem>>, %arg10: memref<1000x128xf32, #tpu.memory_space<vmem>>) attributes {dimension_semantics = [#tpu.dimension_semantics<arbitrary>], iteration_bounds = array<i64: 10>, scalar_prefetch = 0 : i64, scratch_operands = 0 : i64, tpu.core_type = #tpu.core_type<tc>, window_params = [{transform_indices = @transform_0, window_bounds = array<i64: 1000, 128>}, {transform_indices = @transform_1, window_bounds = array<i64: 1000, 128>}, {transform_indices = @transform_2, window_bounds = array<i64: 1000, 128>}, {transform_indices = @transform_3, window_bounds = array<i64: 1000, 128>}, {transform_indices = @transform_4, window_bounds = array<i64: 1000, 128>}, {transform_indices = @transform_5, window_bounds = array<i64: 1000, 128>}, {transform_indices = @transform_6, window_bounds = array<i64: 1000, 128>}, {transform_indices = @transform_7, window_bounds = array<i64: 1000, 128>}, {transform_indices = @transform_8, window_bounds = array<i64: 1000, 128>}, {transform_indices = @transform_9, window_bounds = array<i64: 1000, 128>}]} {
    %get3A = arith.constant 0 : index
    %get3A_0 = arith.constant 0 : index
    %get3A_1 = vector.load %arg1[%get3A, %get3A_0] : memref<1000x128xf32, #tpu.memory_space<vmem>>, vector<1000x128xf32>
    %iota3A = tpu.iota {dimensions = array<i32: 0>} : vector<384x384xi32>
    %iota3A_2 = tpu.iota {dimensions = array<i32: 1>} : vector<384x384xi32>
    %jit3A = arith.constant 128 : i32
    %eq3A = arith.constant 0 : i32
    %eq3A_3 = arith.cmpi eq, %jit3A, %eq3A : i32
    %jit3A_4 = arith.constant 1 : i32
    %select_n3A = arith.select %eq3A_3, %jit3A_4, %jit3A : i32
    %rem3A = vector.broadcast %select_n3A : i32 to vector<384x384xi32>
    %rem3A_5 = arith.remsi %iota3A_2, %rem3A : vector<384x384xi32>
    %ne3A = arith.constant 0 : i32
    %ne3A_6 = vector.broadcast %ne3A : i32 to vector<384x384xi32>
    %ne3A_7 = arith.cmpi ne, %rem3A_5, %ne3A_6 : vector<384x384xi32>
    %lt3A = arith.constant 0 : i32
    %lt3A_8 = vector.broadcast %lt3A : i32 to vector<384x384xi32>
    %lt3A_9 = arith.cmpi slt, %rem3A_5, %lt3A_8 : vector<384x384xi32>
    %lt3A_10 = arith.constant 0 : i32
    %lt3A_11 = arith.cmpi slt, %select_n3A, %lt3A_10 : i32
    %ne3A_12 = vector.broadcast %lt3A_11 : i1 to vector<384x384xi1>
    %ne3A_13 = vector.broadcast %ne3A_12 : vector<384x384xi1> to vector<384x384xi1>
    %ne3A_14 = arith.xori %lt3A_9, %ne3A_13 : vector<384x384xi1>
    %and3A = arith.andi %ne3A_14, %ne3A_7 : vector<384x384xi1>
    %add3A = vector.broadcast %select_n3A : i32 to vector<384x384xi32>
    %add3A_15 = arith.addi %rem3A_5, %add3A : vector<384x384xi32>
    %select_n3A_16 = arith.select %and3A, %add3A_15, %rem3A_5 : vector<384x384xi1>, vector<384x384xi32>
    %mul3A = arith.constant 3 : i32
    %mul3A_17 = vector.broadcast %mul3A : i32 to vector<384x384xi32>
    %mul3A_18 = arith.muli %mul3A_17, %select_n3A_16 : vector<384x384xi32>
    %jit3A_19 = arith.constant 128 : i32
    %div3A = vector.broadcast %jit3A_19 : i32 to vector<384x384xi32>
    %div3A_20 = arith.divsi %iota3A_2, %div3A : vector<384x384xi32>
    %sign3A = arith.constant 0 : i32
    %sign3A_21 = vector.broadcast %sign3A : i32 to vector<384x384xi32>
    %sign3A_22 = arith.cmpi sgt, %iota3A_2, %sign3A_21 : vector<384x384xi32>
    %sign3A_23 = arith.extui %sign3A_22 : vector<384x384xi1> to vector<384x384xi32>
    %sign3A_24 = arith.constant 0 : i32
    %sign3A_25 = vector.broadcast %sign3A_24 : i32 to vector<384x384xi32>
    %sign3A_26 = arith.cmpi slt, %iota3A_2, %sign3A_25 : vector<384x384xi32>
    %sign3A_27 = arith.extui %sign3A_26 : vector<384x384xi1> to vector<384x384xi32>
    %sign3A_28 = arith.subi %sign3A_23, %sign3A_27 : vector<384x384xi32>
    %sign3A_29 = arith.constant 0 : i32
    %sign3A_30 = arith.cmpi sgt, %jit3A_19, %sign3A_29 : i32
    %sign3A_31 = arith.extui %sign3A_30 : i1 to i32
    %sign3A_32 = arith.constant 0 : i32
    %sign3A_33 = arith.cmpi slt, %jit3A_19, %sign3A_32 : i32
    %sign3A_34 = arith.extui %sign3A_33 : i1 to i32
    %sign3A_35 = arith.subi %sign3A_31, %sign3A_34 : i32
    %ne3A_36 = vector.broadcast %sign3A_35 : i32 to vector<384x384xi32>
    %ne3A_37 = arith.cmpi ne, %sign3A_28, %ne3A_36 : vector<384x384xi32>
    %rem3A_38 = vector.broadcast %jit3A_19 : i32 to vector<384x384xi32>
    %rem3A_39 = arith.remsi %iota3A_2, %rem3A_38 : vector<384x384xi32>
    %ne3A_40 = arith.constant 0 : i32
    %ne3A_41 = vector.broadcast %ne3A_40 : i32 to vector<384x384xi32>
    %ne3A_42 = arith.cmpi ne, %rem3A_39, %ne3A_41 : vector<384x384xi32>
    %and3A_43 = arith.andi %ne3A_37, %ne3A_42 : vector<384x384xi1>
    %sub3A = arith.constant 1 : i32
    %sub3A_44 = vector.broadcast %sub3A : i32 to vector<384x384xi32>
    %sub3A_45 = arith.subi %div3A_20, %sub3A_44 : vector<384x384xi32>
    %select_n3A_46 = arith.select %and3A_43, %sub3A_45, %div3A_20 : vector<384x384xi1>, vector<384x384xi32>
    %add3A_47 = arith.addi %mul3A_18, %select_n3A_46 : vector<384x384xi32>
    %eq3A_48 = arith.cmpi eq, %iota3A, %add3A_47 : vector<384x384xi32>
    %convert_element_type3A = arith.extui %eq3A_48 : vector<384x384xi1> to vector<384x384xi32>
    %convert_element_type3A_49 = arith.sitofp %convert_element_type3A : vector<384x384xi32> to vector<384x384xf32>
    %get3A_50 = arith.constant 0 : index
    %get3A_51 = arith.constant 0 : index
    %get3A_52 = vector.load %arg2[%get3A_50, %get3A_51] : memref<1000x128xf32, #tpu.memory_space<vmem>>, vector<1000x128xf32>
    %get3A_53 = arith.constant 0 : index
    %get3A_54 = arith.constant 0 : index
    %get3A_55 = vector.load %arg3[%get3A_53, %get3A_54] : memref<1000x128xf32, #tpu.memory_space<vmem>>, vector<1000x128xf32>
    %add3A_56 = arith.addf %get3A_52, %get3A_55 : vector<1000x128xf32>
    %jit3A_57 = arith.constant 2.000000e-01 : f32
    %ge3A = arith.constant 0.000000e+00 : f32
    %ge3A_58 = vector.broadcast %ge3A : f32 to vector<1000x128xf32>
    %ge3A_59 = arith.cmpf oge, %add3A_56, %ge3A_58 : vector<1000x128xf32>
    %mul3A_60 = vector.broadcast %jit3A_57 : f32 to vector<1000x128xf32>
    %mul3A_61 = arith.mulf %mul3A_60, %add3A_56 : vector<1000x128xf32>
    %select_n3A_62 = arith.select %ge3A_59, %add3A_56, %mul3A_61 : vector<1000x128xi1>, vector<1000x128xf32>
    %get3A_63 = arith.constant 0 : index
    %get3A_64 = arith.constant 0 : index
    %get3A_65 = vector.load %arg4[%get3A_63, %get3A_64] : memref<1000x128xf32, #tpu.memory_space<vmem>>, vector<1000x128xf32>
    %get3A_66 = arith.constant 0 : index
    %get3A_67 = arith.constant 0 : index
    %get3A_68 = vector.load %arg5[%get3A_66, %get3A_67] : memref<1000x128xf32, #tpu.memory_space<vmem>>, vector<1000x128xf32>
    %add3A_69 = arith.addf %get3A_65, %get3A_68 : vector<1000x128xf32>
    %jit3A_70 = arith.constant 2.000000e-01 : f32
    %ge3A_71 = arith.constant 0.000000e+00 : f32
    %ge3A_72 = vector.broadcast %ge3A_71 : f32 to vector<1000x128xf32>
    %ge3A_73 = arith.cmpf oge, %add3A_69, %ge3A_72 : vector<1000x128xf32>
    %mul3A_74 = vector.broadcast %jit3A_70 : f32 to vector<1000x128xf32>
    %mul3A_75 = arith.mulf %mul3A_74, %add3A_69 : vector<1000x128xf32>
    %select_n3A_76 = arith.select %ge3A_73, %add3A_69, %mul3A_75 : vector<1000x128xi1>, vector<1000x128xf32>
    %concatenate3A = tpu.concatenate %get3A_1, %select_n3A_62, %select_n3A_76 in 1 : vector<1000x128xf32>, vector<1000x128xf32>, vector<1000x128xf32> -> vector<1000x384xf32>
    %dot_general3A = arith.constant dense<0.000000e+00> : vector<1000x384xf32>
    %dot_general3A_77 = tpu.matmul %concatenate3A, %convert_element_type3A_49, %dot_general3A {dimension_numbers = #tpu.dot_dimension_numbers<[1], [0], [0], [1], [0, 0, 1, 1], [], []>, precision = #tpu.contract_precision<fp32>, transpose_lhs_hint = false} : vector<1000x384xf32>, vector<384x384xf32>, vector<1000x384xf32> -> vector<1000x384xf32>
    %slice3A = vector.extract_strided_slice %dot_general3A_77 {offsets = [0, 0], sizes = [1000, 128], strides = [1, 1]} : vector<1000x384xf32> to vector<1000x128xf32>
    %slice3A_78 = vector.extract_strided_slice %dot_general3A_77 {offsets = [0, 128], sizes = [1000, 128], strides = [1, 1]} : vector<1000x384xf32> to vector<1000x128xf32>
    %max3A = arith.maximumf %slice3A, %slice3A_78 : vector<1000x128xf32>
    %slice3A_79 = vector.extract_strided_slice %dot_general3A_77 {offsets = [0, 256], sizes = [1000, 128], strides = [1, 1]} : vector<1000x384xf32> to vector<1000x128xf32>
    %max3A_80 = arith.maximumf %max3A, %slice3A_79 : vector<1000x128xf32>
    %get3A_81 = arith.constant 0 : index
    %get3A_82 = arith.constant 0 : index
    %get3A_83 = vector.load %arg6[%get3A_81, %get3A_82] : memref<1000x128xf32, #tpu.memory_space<vmem>>, vector<1000x128xf32>
    %get3A_84 = arith.constant 0 : index
    %get3A_85 = arith.constant 0 : index
    %get3A_86 = vector.load %arg7[%get3A_84, %get3A_85] : memref<1000x128xf32, #tpu.memory_space<vmem>>, vector<1000x128xf32>
    %add3A_87 = arith.addf %get3A_83, %get3A_86 : vector<1000x128xf32>
    %jit3A_88 = arith.constant 2.000000e-01 : f32
    %ge3A_89 = arith.constant 0.000000e+00 : f32
    %ge3A_90 = vector.broadcast %ge3A_89 : f32 to vector<1000x128xf32>
    %ge3A_91 = arith.cmpf oge, %add3A_87, %ge3A_90 : vector<1000x128xf32>
    %mul3A_92 = vector.broadcast %jit3A_88 : f32 to vector<1000x128xf32>
    %mul3A_93 = arith.mulf %mul3A_92, %add3A_87 : vector<1000x128xf32>
    %select_n3A_94 = arith.select %ge3A_91, %add3A_87, %mul3A_93 : vector<1000x128xi1>, vector<1000x128xf32>
    %get3A_95 = arith.constant 0 : index
    %get3A_96 = arith.constant 0 : index
    %get3A_97 = vector.load %arg8[%get3A_95, %get3A_96] : memref<1000x128xf32, #tpu.memory_space<vmem>>, vector<1000x128xf32>
    %get3A_98 = arith.constant 0 : index
    %get3A_99 = arith.constant 0 : index
    %get3A_100 = vector.load %arg9[%get3A_98, %get3A_99] : memref<1000x128xf32, #tpu.memory_space<vmem>>, vector<1000x128xf32>
    %add3A_101 = arith.addf %get3A_97, %get3A_100 : vector<1000x128xf32>
    %jit3A_102 = arith.constant 2.000000e-01 : f32
    %ge3A_103 = arith.constant 0.000000e+00 : f32
    %ge3A_104 = vector.broadcast %ge3A_103 : f32 to vector<1000x128xf32>
    %ge3A_105 = arith.cmpf oge, %add3A_101, %ge3A_104 : vector<1000x128xf32>
    %mul3A_106 = vector.broadcast %jit3A_102 : f32 to vector<1000x128xf32>
    %mul3A_107 = arith.mulf %mul3A_106, %add3A_101 : vector<1000x128xf32>
    %select_n3A_108 = arith.select %ge3A_105, %add3A_101, %mul3A_107 : vector<1000x128xi1>, vector<1000x128xf32>
    %concatenate3A_109 = tpu.concatenate %get3A_1, %select_n3A_94, %select_n3A_108 in 1 : vector<1000x128xf32>, vector<1000x128xf32>, vector<1000x128xf32> -> vector<1000x384xf32>
    %dot_general3A_110 = arith.constant dense<0.000000e+00> : vector<1000x384xf32>
    %dot_general3A_111 = tpu.matmul %concatenate3A_109, %convert_element_type3A_49, %dot_general3A_110 {dimension_numbers = #tpu.dot_dimension_numbers<[1], [0], [0], [1], [0, 0, 1, 1], [], []>, precision = #tpu.contract_precision<fp32>, transpose_lhs_hint = false} : vector<1000x384xf32>, vector<384x384xf32>, vector<1000x384xf32> -> vector<1000x384xf32>
    %slice3A_112 = vector.extract_strided_slice %dot_general3A_111 {offsets = [0, 0], sizes = [1000, 128], strides = [1, 1]} : vector<1000x384xf32> to vector<1000x128xf32>
    %slice3A_113 = vector.extract_strided_slice %dot_general3A_111 {offsets = [0, 128], sizes = [1000, 128], strides = [1, 1]} : vector<1000x384xf32> to vector<1000x128xf32>
    %max3A_114 = arith.maximumf %slice3A_112, %slice3A_113 : vector<1000x128xf32>
    %slice3A_115 = vector.extract_strided_slice %dot_general3A_111 {offsets = [0, 256], sizes = [1000, 128], strides = [1, 1]} : vector<1000x384xf32> to vector<1000x128xf32>
    %max3A_116 = arith.maximumf %max3A_114, %slice3A_115 : vector<1000x128xf32>
    %max3A_117 = arith.maximumf %max3A_80, %max3A_116 : vector<1000x128xf32>
    %add3A_118 = arith.addf %max3A_117, %get3A_1 : vector<1000x128xf32>
    %swap3A = arith.constant 0 : index
    %swap3A_119 = arith.constant 0 : index
    %swap3A_120 = vector.load %arg10[%swap3A, %swap3A_119] : memref<1000x128xf32, #tpu.memory_space<vmem>>, vector<1000x128xf32>
    tpu.vector_store %arg10[%swap3A, %swap3A_119], %add3A_118 {strides = array<i32>} : memref<1000x128xf32, #tpu.memory_space<vmem>>, vector<1000x128xf32>,
    return
  }
  func.func @transform_0(%arg0: i32) -> (i32, i32) {
    %c0_i32 = arith.constant 0 : i32
    %c0_i32_0 = arith.constant 0 : i32
    return %arg0, %c0_i32 : i32, i32
  }
  func.func @transform_1(%arg0: i32) -> (i32, i32) {
    %c0_i32 = arith.constant 0 : i32
    %c0_i32_0 = arith.constant 0 : i32
    return %arg0, %c0_i32 : i32, i32
  }
  func.func @transform_2(%arg0: i32) -> (i32, i32) {
    %c0_i32 = arith.constant 0 : i32
    %c0_i32_0 = arith.constant 0 : i32
    return %arg0, %c0_i32 : i32, i32
  }
  func.func @transform_3(%arg0: i32) -> (i32, i32) {
    %c0_i32 = arith.constant 0 : i32
    %c0_i32_0 = arith.constant 0 : i32
    return %arg0, %c0_i32 : i32, i32
  }
  func.func @transform_4(%arg0: i32) -> (i32, i32) {
    %c0_i32 = arith.constant 0 : i32
    %c0_i32_0 = arith.constant 0 : i32
    return %arg0, %c0_i32 : i32, i32
  }
  func.func @transform_5(%arg0: i32) -> (i32, i32) {
    %c0_i32 = arith.constant 0 : i32
    %c0_i32_0 = arith.constant 0 : i32
    return %arg0, %c0_i32 : i32, i32
  }
  func.func @transform_6(%arg0: i32) -> (i32, i32) {
    %c0_i32 = arith.constant 0 : i32
    %c0_i32_0 = arith.constant 0 : i32
    return %arg0, %c0_i32 : i32, i32
  }
  func.func @transform_7(%arg0: i32) -> (i32, i32) {
    %c0_i32 = arith.constant 0 : i32
    %c0_i32_0 = arith.constant 0 : i32
    return %arg0, %c0_i32 : i32, i32
  }
  func.func @transform_8(%arg0: i32) -> (i32, i32) {
    %c0_i32 = arith.constant 0 : i32
    %c0_i32_0 = arith.constant 0 : i32
    return %arg0, %c0_i32 : i32, i32
  }
  func.func @transform_9(%arg0: i32) -> (i32, i32) {
    %c0_i32 = arith.constant 0 : i32
    %c0_i32_0 = arith.constant 0 : i32
    return %arg0, %c0_i32 : i32, i32
  }
}

</mosaic_0001>

<sc_bundles>
// kernel: kernel.7.cloned.1.call-start
scs
__scs_entry_jumppad:
0x0: {  	(pc) =	sbr.rel $0x88, $3  }
0x1: {  	(tag) =	ssettag $0x0;
	lr =	simm.s32 $0x1  }
0x2: {  	[smem:$0x3F98] =	sst lr;
	_ =	strace $0xD0000000  }
0x3: {  	_ = 	snop  }
0x4: {  	_ = 	snop  }
0x5: {  	_ = 	snop  }
0x6: {  	_ = 	snop  }
0x7: {  	_ = 	snop  }
__scs_overlays_trampoline_lowered:
0x8: {  	[smem:$0x3FA7] =	sst s0  }
0x9: {  	[smem:$0x3FA8] =	sst s1  }
0xa: {  	[smem:$0x3FA9] =	sst s2  }
0xb: {  	[smem:$0x3FAA] =	sst s3  }
0xc: {  	[smem:$0x3FAB] =	sst s4  }
0xd: {  	[smem:$0x3FAC] =	sst s5  }
0xe: {  	[smem:$0x3FAD] =	sst s6  }
0xf: {  	[smem:$0x3FAE] =	sst s7  }
0x10: {  	[smem:$0x3FAF] =	sst s8  }
0x11: {  	[smem:$0x3FB0] =	sst s9;
	s0 =	simm.s32 @!p0 $0x0  }
0x12: {  	s1 =	sld [smem:$0x3F96];
	s0 =	simm.s32 @p0 $0x1  }
0x13: {  	[smem:$0x3FB1] =	sst s0;
	s0 =	simm.s32 @!p1 $0x0  }
0x14: {  	s2 =	sld [smem:$0x3F95];
	s0 =	simm.s32 @p1 $0x1  }
0x15: {  	[smem:$0x3FB2] =	sst s0;
	s0 =	simm.s32 @!p2 $0x0  }
0x16: {  	s3 =	sld [smem:$0x3FDB];
	s0 =	simm.s32 @p2 $0x1  }
0x17: {  	s4 =	simm.s32 $0x1BF5;
	[smem:$0x3FB4] =	sst s0  }
0x18: {  	s0 =	sld [smem:$0x3F97];
	_ =	swait.ge [sflag:s4], $0x0  }
0x19: {  	s7 =	sld [smem:$0x3F98]  }
0x1a: {  	s8 =	sadd.s32 $0xFFFFE003, lr  }
0x1b: {  	s9 =	sadd.s32 $0xFFFFFEF7, lr;
	s5 =	simm.s32 $0xFFFFFFFF;
	p2 =	slt.u32 s8, $0xFFFFF086  }
0x1c: {  	p1 =	slt.u32 s9, $0xF7A;
	s5 =	simm.s32 @!p2 $0x0  }
0x1d: {  	s5 =	simm.s32 @p1 $0x1;
	p0 =	seq.s32 s7, s2  }
0x1e: {  	s7 =	smul.u32 @!p0 $0xF7A, s2;
	p2 =	seq.s32 @!p0 s5, $0x0  }
0x1f: {  	s9 =	smul.u32 $0xF7A, s1;
	s8 =	simm.s32 @!p0 $0x1BF5;
	p2 =	por !p2, p0  }
0x20: {  	[sflag:s8] =	ssyncset.s32 @!p0 $0xFFFFF086;
	s6 =	sadd.s32 @!p0 s3, s7;
	s7 =	simm.s32 @!p0 $0x108  }
0x21: {  	s3 =	sadd.s32 s3, s9;
	s6 =	sadd.s32 @!p0 $0x88, s6;
	s7 =	simm.s32 @p2 $0x1082  }
0x22: {  	[simem:s7], [sflag:s8] =	dma.local @!p0 [hbm:s6], $0xF7A  }
0x23: {  	s9 =	sor.u32 $0xD0000000, s2;
	s6 =	simm.s32 $0x108;
	_ =	swait.ge @!p0 [sflag:s8], $0x0  }
0x24: {  	s3 =	sadd.s32 $0x88, s3;
	s6 =	simm.s32 @!p1 $0x1082;
	[sflag:s4] =	ssyncset.s32 $0xFFFFF086  }
0x25: {  	[simem:s6], [sflag:s4] =	dma.local [hbm:s3], $0xF7A  }
0x26: {  	[smem:$0x3F98] =	sst s1;
	(tag) =	ssettag s2;
	_ =	strace s9  }
0x27: {  	s1 =	sld [smem:$0x3FA8]  }
0x28: {  	s2 =	sld [smem:$0x3FA9]  }
0x29: {  	s4 =	sld [smem:$0x3FAB]  }
0x2a: {  	p0 =	seq.s32 s5, $0x0;
	s5 =	sld [smem:$0x3FAC]  }
0x2b: {  	s6 =	sld [smem:$0x3FAD]  }
0x2c: {  	s7 =	sld [smem:$0x3FAE]  }
0x2d: {  	s3 =	simm.s32 $0x108;
	s8 =	sld [smem:$0x3FAF]  }
0x2e: {  	s3 =	simm.s32 @!p0 $0x1082;
	s9 =	sld [smem:$0x3FB0]  }
0x2f: {  	lr =	sadd.s32 s0, s3;
	s0 =	sld [smem:$0x3FA7]  }
0x30: {  	s3 =	sld [smem:$0x3FAA]  }
0x31: {  	[smem:$0x3FB3] =	sst s10  }
0x32: {  	s10 =	sld [smem:$0x3FB1];
	_ =	sdelay $0x3  }
0x33: {  	p0 =	seq.s32 s10, $0x1;
	s10 =	sld [smem:$0x3FB3];
	_ =	sdelay $0x3  }
0x34: {  	[smem:$0x3FB3] =	sst s10  }
0x35: {  	s10 =	sld [smem:$0x3FB2];
	_ =	sdelay $0x3  }
0x36: {  	p1 =	seq.s32 s10, $0x1;
	s10 =	sld [smem:$0x3FB3];
	_ =	sdelay $0x3  }
0x37: {  	[smem:$0x3FB3] =	sst s10  }
0x38: {  	s10 =	sld [smem:$0x3FB4]  }
0x39: {  	_ = 	snop;
	(pc) =	sbr.ind lr, $3  }
0x3a: {  	_ = 	snop  }
0x3b: {  	_ = 	snop  }
0x3c: {  	p2 =	seq.s32 s10, $0x1;
	s10 =	sld [smem:$0x3FB3]  }
0x3d: {  	_ =	shalt  }
0x3e: {  	_ =	shalt  }
0x3f: {  	_ =	shalt  }
0x40: {  	_ =	shalt  }
0x41: {  	_ =	shalt  }
0x42: {  	_ =	shalt  }
0x43: {  	_ =	shalt  }
0x44: {  	_ =	shalt  }
0x45: {  	_ =	shalt  }
0x46: {  	_ =	shalt  }
0x47: {  	_ =	shalt  }
0x48: {  	_ =	shalt  }
0x49: {  	_ =	shalt  }
0x4a: {  	_ =	shalt  }
0x4b: {  	_ =	shalt  }
0x4c: {  	_ =	shalt  }
0x4d: {  	_ =	shalt  }
0x4e: {  	_ =	shalt  }
0x4f: {  	_ =	shalt  }
0x50: {  	_ =	shalt  }
0x51: {  	_ =	shalt  }
0x52: {  	_ =	shalt  }
0x53: {  	_ =	shalt  }
0x54: {  	_ =	shalt  }
0x55: {  	_ =	shalt  }
0x56: {  	_ =	shalt  }
0x57: {  	_ =	shalt  }
0x58: {  	_ =	shalt  }
0x59: {  	_ =	shalt  }
0x5a: {  	_ =	shalt  }
0x5b: {  	_ =	shalt  }
0x5c: {  	_ =	shalt  }
0x5d: {  	_ =	shalt  }
0x5e: {  	_ =	shalt  }
0x5f: {  	_ =	shalt  }
0x60: {  	_ =	shalt  }
0x61: {  	_ =	shalt  }
0x62: {  	_ =	shalt  }
0x63: {  	_ =	shalt  }
0x64: {  	_ =	shalt  }
0x65: {  	_ =	shalt  }
0x66: {  	_ =	shalt  }
0x67: {  	_ =	shalt  }
0x68: {  	_ =	shalt  }
0x69: {  	_ =	shalt  }
0x6a: {  	_ =	shalt  }
0x6b: {  	_ =	shalt  }
0x6c: {  	_ =	shalt  }
0x6d: {  	_ =	shalt  }
0x6e: {  	_ =	shalt  }
0x6f: {  	_ =	shalt  }
0x70: {  	_ =	shalt  }
0x71: {  	_ =	shalt  }
0x72: {  	_ =	shalt  }
0x73: {  	_ =	shalt  }
0x74: {  	_ =	shalt  }
0x75: {  	_ =	shalt  }
0x76: {  	_ =	shalt  }
0x77: {  	_ =	shalt  }
0x78: {  	_ =	shalt  }
0x79: {  	_ =	shalt  }
0x7a: {  	_ =	shalt  }
0x7b: {  	_ =	shalt  }
0x7c: {  	_ =	shalt  }
0x7d: {  	_ =	shalt  }
0x7e: {  	_ =	shalt  }
0x7f: {  	_ =	shalt  }
0x80: {  	_ =	shalt  }
0x81: {  	_ =	shalt  }
0x82: {  	_ =	shalt  }
0x83: {  	_ =	shalt  }
0x84: {  	_ =	shalt  }
0x85: {  	_ =	shalt  }
0x86: {  	_ =	shalt  }
0x87: {  	_ =	shalt  }
.Lfunc_end0:
.L_simem_size_0:
called_computation_lowered:
.L_overlay_start_0:
0x88: {  	s2 =	sld [smem:$0x3FD9]  }
0x89: {  	s3 =	sld [smem:$0x3FFE];
	_ =	sdelay $0x1  }
0x8a: {  	s1 =	srdreg.scid  }
0x8b: {  	s0 =	sand.u32 $0x1, s1  }
0x8c: {  	s16 =	sshll.u32 s0, $0xA;
	s2 =	sadd.s32 s3, s2  }
0x8d: {  	s2 =	sadd.s32 s2, s16  }
0x8e: {  	[smem:$0x3FBF] =	sst s2  }
0x8f: {  	_ = 	snop  }
0x90: {  	(tm) =	ssettm $0x1  }
0x91: {  	s17 =	sld [smem:$0x3FFB];
	_ =	sdelay $0x3  }
0x92: {  	_ =	strace s17  }
0x93: {  	s2 =	sld [smem:$0x3FFC];
	_ =	sdelay $0x3  }
0x94: {  	_ =	strace s2  }
0x95: {  	s2 =	sld [smem:$0x3FFD];
	_ =	sdelay $0x3  }
0x96: {  	_ =	strace s2  }
0x97: {  	_ =	strace $0x8FFFFFFF  }
0x98: {  	s18 =	sld [smem:$0x3FDB];
	_ =	sdelay $0x1  }
0x99: {  	s19 =	simm.s32 $_scs_section_size  }
0x9a: {  	s4 =	simm.s32 $_size__tile_overlayer_lowered;
	s5 =	simm.s32 $_tile_overlayer_lowered  }
0x9b: {  	s22 =	simm.s32 $0x1BFF;
	s21 =	sshll.u32 s5, $0x1;
	s2 =	sadd.s32 s19, s18  }
0x9c: {  	s6 =	simm.s32 $0x0;
	s20 =	sshll.u32 s4, $0x1;
	s4 =	sadd.s32 s21, s2  }
0x9d: {  	[timem:s6], [sflag:s22] =	dma.local [hbm:s4], s20  }
0x9e: {  	_ =	swait.ge [sflag:s22], s20  }
0x9f: {  	s3 =	ssub.s32 $0x0, s20;
	[sflag:s22] =	ssyncset.done $0x0  }
0xa0: {  	[sflag:s22] =	ssyncadd.s32 s3;
	_ =	sdelay $0x1  }
0xa1: {  	s23 =	simm.s32 $0x1B8B  }
0xa2: {  	_ =	swait.ge [sflag:s23], $0x1  }
0xa3: {  	[sflag:s23] =	ssyncset.done $0x0  }
0xa4: {  	s25 =	simm.s32 $0x1B8E;
	s24 =	sld [smem:$0x3FFE];
	[sflag:s23] =	ssyncadd.s32 $0xFFFFFFFF  }
0xa5: {  	s26 =	simm.s32 $execute0_lowered;
	[smem:$0x3FD2] =	sst s25  }
0xa6: {  	s4 =	sshll.u32 s26, $0x1;
	_ =	strace $0x80000046;
	[dreg:$0x1] =	wrdreg $0xFFFFFFFF  }
0xa7: {  	s28 =	simm.s32 $_size_execute0_lowered;
	s2 =	sadd.s32 s2, s4;
	[dreg:$0x0] =	wrdreg $0x0  }
0xa8: {  	s4 =	sshll.u32 s28, $0x1;
	[dreg:$0x2] =	wrdreg s2  }
0xa9: {  	[dreg:$0x3] =	wrdreg s4  }
0xaa: {  	[dreg:$0x4] =	wrdreg $0xC0  }
0xab: {  	_ =	task [dreg:s6], $0x5FFFF  }
0xac: {  	[dreg:$0x1] =	wrdreg $0xFFFFFFFF  }
0xad: {  	[dreg:$0x0] =	wrdreg $0x60  }
0xae: {  	[dreg:$0x2] =	wrdreg s24  }
0xaf: {  	[dreg:$0x3] =	wrdreg $0x9  }
0xb0: {  	_ =	task.clear_ibuf [dreg:s6], $0x4FFFF;
	_ =	strace $0x90000046  }
0xb1: {  	s29 =	simm.s32 $0x9;
	_ =	strace $0x80000048  }
0xb2: {  	_ =	swait.ge [sflag:s29], $0x1  }
0xb3: {  	[sflag:s29] =	ssyncadd.s32 $0xFFFFFFFF  }
0xb4: {  	_ =	strace $0x90000048  }
0xb5: {  	_ =	sfence  }
0xb6: {  	s30 =	sld [smem:$0x0];
	_ =	sdelay $0x2  }
0xb7: {  	s31 =	sshll.u32 s1, $0xD;
	s1 =	sshrl.u32 s1, $0x2  }
0xb8: {  	s3 =	sand.u32 $0x4000, s31;
	s1 =	sadd.s32 s1, s30  }
0xb9: {  	s0 =	sor.u32 s3, s0;
	s1 =	sshll.u32 s1, $0x11  }
0xba: {  	s0 =	sor.u32 s1, s0  }
0xbb: {  	s0 =	sadd.s32 $0x8F2B, s0  }
0xbc: {  	[sflag:s0] =	ssyncadd.remote.s32 $0x1  }
0xbd: {  	_ =	sfence.sel $0xFFFF  }
0xbe: {  	[dreg:$0x0] =	wrdreg $0xFFFFFFFF;
	(pc) =	sbr.abs _section_cstart, $3  }
0xbf: {  	[dreg:$0x1] =	wrdreg $0xFFFFFFFF  }
0xc0: {  	_ =	task.clear_ibuf [dreg:s6], $0x2FFFF;
	_ =	strace $0x9FFFFFFF  }
0xc1: {  	(tm) =	ssettm $0x7FFFFFFF  }
tec
execute0_lowered:
.L_overlay_start_1:
0x0: {  	(tag) =	ssettag $0x1  }
0x1: {  	s1 =	srdreg.scid;
	s0 =	stileid.u32  }
0x2: {  	s4 =	rddreg [dreg:$0x0];
	s2 =	simm.s32 $0x0;
	s9 =	simm.s32 $0x80  }
0x3: {  	s10 =	simm.s32 $0x2800;
	s11 =	simm.s32 $0x1;
	s12 =	simm.s32 $0x6800  }
0x4: {  	s3 =	sand.u32 $0x1, s1;
	s5 =	sshll.u32 s0, $0x1;
	s1 =	rddreg [dreg:$0x1]  }
0x5: {  	s13 =	simm.s32 $0x0;
	[smem:$0x7FF] =	sst s2;
	s6 =	sor.u32 s3, s5  }
0x6: {  	s7 =	ssub.s32 $0x2, s3;
	_ =	strace $0x80000047;
	s5 =	smul.u32 $0x500, s6  }
0x7: {  	s3 =	sadd.s32 $0x27E00, s4;
	s8 =	sshrl.u32 s7, $0x1;
	s6 =	smul.u32 $0x50, s6  }
0x8: {  	s7 =	ssub.s32 s7, s8;
	s8 =	simm.s32 $0x2;
	s5 =	sadd.s32 s5, s4  }
0x9: {  	s4 =	sadd.s32 $0x80000, s4;
	s7 =	smax.u32 s7, $0x1;
	s5 =	sadd.s32 $0x76000, s5  }
.LBB2_1:
0xa: {  	[tilespmem:s2], [sflag:$0x2] =	stream.linear.gather [hbm4b:s5+s2], $0x2800, $0x38;
	[tilespmem:$0x6C00] =	vst v63  }
0xb: {  	_ =	swait.ge [sflag:s8], $0x2800  }
0xc: {  	[sflag:s8] =	ssyncset.done $0x0  }
0xd: {  	s14 =	simm.s32 $0x0;
	[sflag:s8] =	ssyncadd.s32 $0xFFFFD800  }
.LBB2_2:
0xe: {  	s15 =	sshll.u32 s14, $0x7  }
0xf: {  	s15 =	sand.u32 $0x3FFFFF80, s15  }
0x10: {  	[tilespmem:s10], [sflag:$0x1] =	stream.indirect.gather [hbm4b:s3+s9], $0x80, s15, s9, $0xb8;
	[tilespmem:$0x6C00] =	vst v63  }
0x11: {  	_ =	swait.ge [sflag:s11], $0x4000  }
0x12: {  	[sflag:s11] =	ssyncset.done $0x0  }
0x13: {  	[sflag:s11] =	ssyncadd.s32 $0xFFFFC000  }
0x14: {  	v8 =	vld [tilespmem:$0x2800]  }
0x15: {  	v11 =	vld [tilespmem:$0x3000]  }
0x16: {  	v4 =	vld [tilespmem:$0x3800]  }
0x17: {  	v3 =	vld [tilespmem:$0x4000]  }
0x18: {  	v2 =	vld [tilespmem:$0x4800]  }
0x19: {  	v1 =	vld [tilespmem:$0x5000]  }
0x1a: {  	v0 =	vld [tilespmem:$0x5800]  }
0x1b: {  	s17 =	simm.s32 $0x0;
	v5 =	vld [tilespmem:$0x6000]  }
0x1c: {  	v10 =	vld [tilespmem:s17+$0x6080]  }
0x1d: {  	v13 =	vld [tilespmem:s17+$0x2880]  }
0x1e: {  	v14 =	vld [tilespmem:s17+$0x3080]  }
0x1f: {  	v12 =	vld [tilespmem:s17+$0x3880]  }
0x20: {  	v9 =	vld [tilespmem:s17+$0x4080]  }
0x21: {  	v7 =	vld [tilespmem:s17+$0x4880]  }
0x22: {  	v6 =	vld [tilespmem:s17+$0x5080]  }
0x23: {  	s16 =	simm.s32 $0x400;
	s15 =	simm.s32 $0x80;
	v5 =	vmax.f32 v5, v10;
	v10 =	vmax.f32 v8, v13;
	v11 =	vmax.f32 v11, v14;
	v8 =	vld [tilespmem:s17+$0x5880]  }
.LBB2_3:
0x24: {  	p0 =	sne.s32 s16, $0x1C00;
	v13 =	vld [tilespmem:s15+$0x6080];
	v4 =	vmax.f32 v4, v12  }
0x25: {  	v14 =	vld [tilespmem:s15+$0x2880];
	v3 =	vmax.f32 v3, v9  }
0x26: {  	v15 =	vld [tilespmem:s15+$0x3080];
	v2 =	vmax.f32 v2, v7  }
.Ltmp0:
0x27: {  	v12 =	vld [tilespmem:s15+$0x3880];
	v1 =	vmax.f32 v1, v6;
	(pc) =	sbr.rel @p0 .LBB2_3-.Ltmp0, $4  }
0x28: {  	v9 =	vld [tilespmem:s15+$0x4080];
	v0 =	vmax.f32 v0, v8  }
0x29: {  	v7 =	vld [tilespmem:s15+$0x4880];
	v5 =	vmax.f32 v5, v13  }
0x2a: {  	v10 =	vmax.f32 v10, v14;
	v6 =	vld [tilespmem:s15+$0x5080]  }
0x2b: {  	v11 =	vmax.f32 v11, v15;
	v8 =	vld [tilespmem:s15+$0x5880];
	s15 =	sshra.s32 s16, $0x2;
	s16 =	sadd.s32 $0x200, s16  }
0x2c: {  	v13 =	vld [tilespmem:s15+$0x6080]  }
0x2d: {  	v14 =	vld [tilespmem:s15+$0x2880]  }
0x2e: {  	v15 =	vld [tilespmem:s15+$0x3080]  }
0x2f: {  	v16 =	vld [tilespmem:s15+$0x3880]  }
0x30: {  	v17 =	vld [tilespmem:s15+$0x4080]  }
0x31: {  	v18 =	vld [tilespmem:s15+$0x4880]  }
0x32: {  	v19 =	vld [tilespmem:s15+$0x5080]  }
0x33: {  	v7 =	vmax.f32 v2, v7;
	v2 =	vld [tilespmem:$0x3810];
	v10 =	vmax.f32 v10, v14  }
0x34: {  	v4 =	vmax.f32 v4, v12;
	v14 =	vld [tilespmem:s15+$0x5880];
	v11 =	vmax.f32 v11, v15;
	[tilespmem:$0x6800] =	vst v10  }
0x35: {  	v3 =	vmax.f32 v3, v9;
	v4 =	vmax.f32 v4, v16;
	v10 =	vld [tilespmem:$0x2810];
	[tilespmem:$0x6880] =	vst v11  }
0x36: {  	v1 =	vmax.f32 v1, v6;
	v3 =	vmax.f32 v3, v17;
	v11 =	vld [tilespmem:$0x3010];
	[tilespmem:$0x6900] =	vst v4  }
0x37: {  	v1 =	vmax.f32 v1, v19;
	[tilespmem:$0x6980] =	vst v3;
	v3 =	vld [tilespmem:$0x4010]  }
0x38: {  	v5 =	vmax.f32 v5, v13;
	[tilespmem:$0x6A80] =	vst v1;
	v1 =	vld [tilespmem:$0x5010]  }
0x39: {  	v0 =	vmax.f32 v0, v8;
	v4 =	vmax.f32 v7, v18;
	[tilespmem:$0x6B80] =	vst v5;
	v5 =	vld [tilespmem:$0x6010]  }
0x3a: {  	[tilespmem:$0x6A00] =	vst v4;
	v4 =	vld [tilespmem:$0x4810];
	v0 =	vmax.f32 v0, v14  }
0x3b: {  	s17 =	simm.s32 $0x0;
	[tilespmem:$0x6B00] =	vst v0;
	v0 =	vld [tilespmem:$0x5810]  }
0x3c: {  	v8 =	vld [tilespmem:s17+$0x6090]  }
0x3d: {  	v13 =	vld [tilespmem:s17+$0x2890]  }
0x3e: {  	v14 =	vld [tilespmem:s17+$0x3090]  }
0x3f: {  	v12 =	vld [tilespmem:s17+$0x3890]  }
0x40: {  	v9 =	vld [tilespmem:s17+$0x4090]  }
0x41: {  	v7 =	vld [tilespmem:s17+$0x4890]  }
0x42: {  	v6 =	vld [tilespmem:s17+$0x5090]  }
0x43: {  	s16 =	simm.s32 $0x400;
	s15 =	simm.s32 $0x80;
	v5 =	vmax.f32 v5, v8;
	v10 =	vmax.f32 v10, v13;
	v11 =	vmax.f32 v11, v14;
	v8 =	vld [tilespmem:s17+$0x5890]  }
.LBB2_5:
0x44: {  	p0 =	sne.s32 s16, $0x1C00;
	v13 =	vld [tilespmem:s15+$0x6090];
	v2 =	vmax.f32 v2, v12  }
0x45: {  	v14 =	vld [tilespmem:s15+$0x2890];
	v3 =	vmax.f32 v3, v9  }
0x46: {  	v15 =	vld [tilespmem:s15+$0x3090];
	v4 =	vmax.f32 v4, v7  }
.Ltmp1:
0x47: {  	v12 =	vld [tilespmem:s15+$0x3890];
	v1 =	vmax.f32 v1, v6;
	(pc) =	sbr.rel @p0 .LBB2_5-.Ltmp1, $4  }
0x48: {  	v9 =	vld [tilespmem:s15+$0x4090];
	v0 =	vmax.f32 v0, v8  }
0x49: {  	v7 =	vld [tilespmem:s15+$0x4890];
	v5 =	vmax.f32 v5, v13  }
0x4a: {  	v10 =	vmax.f32 v10, v14;
	v6 =	vld [tilespmem:s15+$0x5090]  }
0x4b: {  	v11 =	vmax.f32 v11, v15;
	v8 =	vld [tilespmem:s15+$0x5890];
	s15 =	sshra.s32 s16, $0x2;
	s16 =	sadd.s32 $0x200, s16  }
0x4c: {  	v13 =	vld [tilespmem:s15+$0x6090]  }
0x4d: {  	v14 =	vld [tilespmem:s15+$0x2890]  }
0x4e: {  	v15 =	vld [tilespmem:s15+$0x3090]  }
0x4f: {  	v16 =	vld [tilespmem:s15+$0x3890]  }
0x50: {  	v17 =	vld [tilespmem:s15+$0x4090]  }
0x51: {  	v18 =	vld [tilespmem:s15+$0x4890]  }
0x52: {  	v19 =	vld [tilespmem:s15+$0x5090]  }
0x53: {  	v10 =	vmax.f32 v10, v14;
	v14 =	vld [tilespmem:s15+$0x5890]  }
0x54: {  	v2 =	vmax.f32 v2, v12;
	v11 =	vmax.f32 v11, v15;
	[tilespmem:$0x6810] =	vst v10;
	v10 =	vld [tilespmem:$0x2820]  }
0x55: {  	v3 =	vmax.f32 v3, v9;
	v2 =	vmax.f32 v2, v16;
	[tilespmem:$0x6890] =	vst v11;
	v11 =	vld [tilespmem:$0x3020]  }
0x56: {  	v4 =	vmax.f32 v4, v7;
	v3 =	vmax.f32 v3, v17;
	[tilespmem:$0x6910] =	vst v2;
	v2 =	vld [tilespmem:$0x3820]  }
0x57: {  	v1 =	vmax.f32 v1, v6;
	v4 =	vmax.f32 v4, v18;
	[tilespmem:$0x6990] =	vst v3;
	v3 =	vld [tilespmem:$0x4020]  }
0x58: {  	v1 =	vmax.f32 v1, v19;
	[tilespmem:$0x6A10] =	vst v4;
	v4 =	vld [tilespmem:$0x4820]  }
0x59: {  	v0 =	vmax.f32 v0, v8;
	v5 =	vmax.f32 v5, v13;
	[tilespmem:$0x6A90] =	vst v1;
	v1 =	vld [tilespmem:$0x5020]  }
0x5a: {  	[tilespmem:$0x6B90] =	vst v5;
	v5 =	vld [tilespmem:$0x6020];
	v0 =	vmax.f32 v0, v14  }
0x5b: {  	s17 =	simm.s32 $0x0;
	[tilespmem:$0x6B10] =	vst v0;
	v0 =	vld [tilespmem:$0x5820]  }
0x5c: {  	v8 =	vld [tilespmem:s17+$0x60A0]  }
0x5d: {  	v13 =	vld [tilespmem:s17+$0x28A0]  }
0x5e: {  	v14 =	vld [tilespmem:s17+$0x30A0]  }
0x5f: {  	v12 =	vld [tilespmem:s17+$0x38A0]  }
0x60: {  	v9 =	vld [tilespmem:s17+$0x40A0]  }
0x61: {  	v7 =	vld [tilespmem:s17+$0x48A0]  }
0x62: {  	v6 =	vld [tilespmem:s17+$0x50A0]  }
0x63: {  	s16 =	simm.s32 $0x400;
	s15 =	simm.s32 $0x80;
	v5 =	vmax.f32 v5, v8;
	v10 =	vmax.f32 v10, v13;
	v11 =	vmax.f32 v11, v14;
	v8 =	vld [tilespmem:s17+$0x58A0]  }
.LBB2_7:
0x64: {  	p0 =	sne.s32 s16, $0x1C00;
	v13 =	vld [tilespmem:s15+$0x60A0];
	v2 =	vmax.f32 v2, v12  }
0x65: {  	v14 =	vld [tilespmem:s15+$0x28A0];
	v3 =	vmax.f32 v3, v9  }
0x66: {  	v15 =	vld [tilespmem:s15+$0x30A0];
	v4 =	vmax.f32 v4, v7  }
.Ltmp2:
0x67: {  	v12 =	vld [tilespmem:s15+$0x38A0];
	v1 =	vmax.f32 v1, v6;
	(pc) =	sbr.rel @p0 .LBB2_7-.Ltmp2, $4  }
0x68: {  	v9 =	vld [tilespmem:s15+$0x40A0];
	v0 =	vmax.f32 v0, v8  }
0x69: {  	v7 =	vld [tilespmem:s15+$0x48A0];
	v5 =	vmax.f32 v5, v13  }
0x6a: {  	v10 =	vmax.f32 v10, v14;
	v6 =	vld [tilespmem:s15+$0x50A0]  }
0x6b: {  	v11 =	vmax.f32 v11, v15;
	v8 =	vld [tilespmem:s15+$0x58A0];
	s15 =	sshra.s32 s16, $0x2;
	s16 =	sadd.s32 $0x200, s16  }
0x6c: {  	v13 =	vld [tilespmem:s15+$0x60A0]  }
0x6d: {  	v14 =	vld [tilespmem:s15+$0x28A0]  }
0x6e: {  	v15 =	vld [tilespmem:s15+$0x30A0]  }
0x6f: {  	v16 =	vld [tilespmem:s15+$0x38A0]  }
0x70: {  	v17 =	vld [tilespmem:s15+$0x40A0]  }
0x71: {  	v18 =	vld [tilespmem:s15+$0x48A0]  }
0x72: {  	v19 =	vld [tilespmem:s15+$0x50A0]  }
0x73: {  	v10 =	vmax.f32 v10, v14;
	v14 =	vld [tilespmem:s15+$0x58A0]  }
0x74: {  	v2 =	vmax.f32 v2, v12;
	v11 =	vmax.f32 v11, v15;
	[tilespmem:$0x6820] =	vst v10;
	v10 =	vld [tilespmem:$0x2830]  }
0x75: {  	v3 =	vmax.f32 v3, v9;
	v2 =	vmax.f32 v2, v16;
	[tilespmem:$0x68A0] =	vst v11;
	v11 =	vld [tilespmem:$0x3030]  }
0x76: {  	v4 =	vmax.f32 v4, v7;
	v3 =	vmax.f32 v3, v17;
	[tilespmem:$0x6920] =	vst v2;
	v2 =	vld [tilespmem:$0x3830]  }
0x77: {  	v1 =	vmax.f32 v1, v6;
	v4 =	vmax.f32 v4, v18;
	[tilespmem:$0x69A0] =	vst v3;
	v3 =	vld [tilespmem:$0x4030]  }
0x78: {  	v1 =	vmax.f32 v1, v19;
	[tilespmem:$0x6A20] =	vst v4;
	v4 =	vld [tilespmem:$0x4830]  }
0x79: {  	v0 =	vmax.f32 v0, v8;
	v5 =	vmax.f32 v5, v13;
	[tilespmem:$0x6AA0] =	vst v1;
	v1 =	vld [tilespmem:$0x5030]  }
0x7a: {  	[tilespmem:$0x6BA0] =	vst v5;
	v5 =	vld [tilespmem:$0x6030];
	v0 =	vmax.f32 v0, v14  }
0x7b: {  	s17 =	simm.s32 $0x0;
	[tilespmem:$0x6B20] =	vst v0;
	v0 =	vld [tilespmem:$0x5830]  }
0x7c: {  	v8 =	vld [tilespmem:s17+$0x60B0]  }
0x7d: {  	v13 =	vld [tilespmem:s17+$0x28B0]  }
0x7e: {  	v14 =	vld [tilespmem:s17+$0x30B0]  }
0x7f: {  	v12 =	vld [tilespmem:s17+$0x38B0]  }
0x80: {  	v9 =	vld [tilespmem:s17+$0x40B0]  }
0x81: {  	v7 =	vld [tilespmem:s17+$0x48B0]  }
0x82: {  	v6 =	vld [tilespmem:s17+$0x50B0]  }
0x83: {  	s16 =	simm.s32 $0x400;
	s15 =	simm.s32 $0x80;
	v5 =	vmax.f32 v5, v8;
	v10 =	vmax.f32 v10, v13;
	v11 =	vmax.f32 v11, v14;
	v8 =	vld [tilespmem:s17+$0x58B0]  }
.LBB2_9:
0x84: {  	p0 =	sne.s32 s16, $0x1C00;
	v13 =	vld [tilespmem:s15+$0x60B0];
	v2 =	vmax.f32 v2, v12  }
0x85: {  	v14 =	vld [tilespmem:s15+$0x28B0];
	v3 =	vmax.f32 v3, v9  }
0x86: {  	v15 =	vld [tilespmem:s15+$0x30B0];
	v4 =	vmax.f32 v4, v7  }
.Ltmp3:
0x87: {  	v12 =	vld [tilespmem:s15+$0x38B0];
	v1 =	vmax.f32 v1, v6;
	(pc) =	sbr.rel @p0 .LBB2_9-.Ltmp3, $4  }
0x88: {  	v9 =	vld [tilespmem:s15+$0x40B0];
	v0 =	vmax.f32 v0, v8  }
0x89: {  	v7 =	vld [tilespmem:s15+$0x48B0];
	v5 =	vmax.f32 v5, v13  }
0x8a: {  	v10 =	vmax.f32 v10, v14;
	v6 =	vld [tilespmem:s15+$0x50B0]  }
0x8b: {  	v11 =	vmax.f32 v11, v15;
	v8 =	vld [tilespmem:s15+$0x58B0];
	s15 =	sshra.s32 s16, $0x2;
	s16 =	sadd.s32 $0x200, s16  }
0x8c: {  	v13 =	vld [tilespmem:s15+$0x60B0]  }
0x8d: {  	v14 =	vld [tilespmem:s15+$0x28B0]  }
0x8e: {  	v15 =	vld [tilespmem:s15+$0x30B0]  }
0x8f: {  	v16 =	vld [tilespmem:s15+$0x38B0]  }
0x90: {  	v17 =	vld [tilespmem:s15+$0x40B0]  }
0x91: {  	v18 =	vld [tilespmem:s15+$0x48B0]  }
0x92: {  	v19 =	vld [tilespmem:s15+$0x50B0]  }
0x93: {  	v10 =	vmax.f32 v10, v14;
	v14 =	vld [tilespmem:s15+$0x58B0]  }
0x94: {  	v2 =	vmax.f32 v2, v12;
	v11 =	vmax.f32 v11, v15;
	[tilespmem:$0x6830] =	vst v10;
	v10 =	vld [tilespmem:$0x2840]  }
0x95: {  	v3 =	vmax.f32 v3, v9;
	v2 =	vmax.f32 v2, v16;
	[tilespmem:$0x68B0] =	vst v11;
	v11 =	vld [tilespmem:$0x3040]  }
0x96: {  	v4 =	vmax.f32 v4, v7;
	v3 =	vmax.f32 v3, v17;
	[tilespmem:$0x6930] =	vst v2;
	v2 =	vld [tilespmem:$0x3840]  }
0x97: {  	v1 =	vmax.f32 v1, v6;
	v4 =	vmax.f32 v4, v18;
	[tilespmem:$0x69B0] =	vst v3;
	v3 =	vld [tilespmem:$0x4040]  }
0x98: {  	v1 =	vmax.f32 v1, v19;
	[tilespmem:$0x6A30] =	vst v4;
	v4 =	vld [tilespmem:$0x4840]  }
0x99: {  	v0 =	vmax.f32 v0, v8;
	v5 =	vmax.f32 v5, v13;
	[tilespmem:$0x6AB0] =	vst v1;
	v1 =	vld [tilespmem:$0x5040]  }
0x9a: {  	[tilespmem:$0x6BB0] =	vst v5;
	v5 =	vld [tilespmem:$0x6040];
	v0 =	vmax.f32 v0, v14  }
0x9b: {  	s17 =	simm.s32 $0x0;
	[tilespmem:$0x6B30] =	vst v0;
	v0 =	vld [tilespmem:$0x5840]  }
0x9c: {  	v8 =	vld [tilespmem:s17+$0x60C0]  }
0x9d: {  	v13 =	vld [tilespmem:s17+$0x28C0]  }
0x9e: {  	v14 =	vld [tilespmem:s17+$0x30C0]  }
0x9f: {  	v12 =	vld [tilespmem:s17+$0x38C0]  }
0xa0: {  	v9 =	vld [tilespmem:s17+$0x40C0]  }
0xa1: {  	v7 =	vld [tilespmem:s17+$0x48C0]  }
0xa2: {  	v6 =	vld [tilespmem:s17+$0x50C0]  }
0xa3: {  	s16 =	simm.s32 $0x400;
	s15 =	simm.s32 $0x80;
	v5 =	vmax.f32 v5, v8;
	v10 =	vmax.f32 v10, v13;
	v11 =	vmax.f32 v11, v14;
	v8 =	vld [tilespmem:s17+$0x58C0]  }
.LBB2_11:
0xa4: {  	p0 =	sne.s32 s16, $0x1C00;
	v13 =	vld [tilespmem:s15+$0x60C0];
	v2 =	vmax.f32 v2, v12  }
0xa5: {  	v14 =	vld [tilespmem:s15+$0x28C0];
	v3 =	vmax.f32 v3, v9  }
0xa6: {  	v15 =	vld [tilespmem:s15+$0x30C0];
	v4 =	vmax.f32 v4, v7  }
.Ltmp4:
0xa7: {  	v12 =	vld [tilespmem:s15+$0x38C0];
	v1 =	vmax.f32 v1, v6;
	(pc) =	sbr.rel @p0 .LBB2_11-.Ltmp4, $4  }
0xa8: {  	v9 =	vld [tilespmem:s15+$0x40C0];
	v0 =	vmax.f32 v0, v8  }
0xa9: {  	v7 =	vld [tilespmem:s15+$0x48C0];
	v5 =	vmax.f32 v5, v13  }
0xaa: {  	v10 =	vmax.f32 v10, v14;
	v6 =	vld [tilespmem:s15+$0x50C0]  }
0xab: {  	v11 =	vmax.f32 v11, v15;
	v8 =	vld [tilespmem:s15+$0x58C0];
	s15 =	sshra.s32 s16, $0x2;
	s16 =	sadd.s32 $0x200, s16  }
0xac: {  	v13 =	vld [tilespmem:s15+$0x60C0]  }
0xad: {  	v14 =	vld [tilespmem:s15+$0x28C0]  }
0xae: {  	v15 =	vld [tilespmem:s15+$0x30C0]  }
0xaf: {  	v16 =	vld [tilespmem:s15+$0x38C0]  }
0xb0: {  	v17 =	vld [tilespmem:s15+$0x40C0]  }
0xb1: {  	v18 =	vld [tilespmem:s15+$0x48C0]  }
0xb2: {  	v19 =	vld [tilespmem:s15+$0x50C0]  }
0xb3: {  	v10 =	vmax.f32 v10, v14;
	v14 =	vld [tilespmem:s15+$0x58C0]  }
0xb4: {  	v2 =	vmax.f32 v2, v12;
	v11 =	vmax.f32 v11, v15;
	[tilespmem:$0x6840] =	vst v10;
	v10 =	vld [tilespmem:$0x2850]  }
0xb5: {  	v3 =	vmax.f32 v3, v9;
	v2 =	vmax.f32 v2, v16;
	[tilespmem:$0x68C0] =	vst v11;
	v11 =	vld [tilespmem:$0x3050]  }
0xb6: {  	v4 =	vmax.f32 v4, v7;
	v3 =	vmax.f32 v3, v17;
	[tilespmem:$0x6940] =	vst v2;
	v2 =	vld [tilespmem:$0x3850]  }
0xb7: {  	v1 =	vmax.f32 v1, v6;
	v4 =	vmax.f32 v4, v18;
	[tilespmem:$0x69C0] =	vst v3;
	v3 =	vld [tilespmem:$0x4050]  }
0xb8: {  	v1 =	vmax.f32 v1, v19;
	[tilespmem:$0x6A40] =	vst v4;
	v4 =	vld [tilespmem:$0x4850]  }
0xb9: {  	v0 =	vmax.f32 v0, v8;
	v5 =	vmax.f32 v5, v13;
	[tilespmem:$0x6AC0] =	vst v1;
	v1 =	vld [tilespmem:$0x5050]  }
0xba: {  	[tilespmem:$0x6BC0] =	vst v5;
	v5 =	vld [tilespmem:$0x6050];
	v0 =	vmax.f32 v0, v14  }
0xbb: {  	s17 =	simm.s32 $0x0;
	[tilespmem:$0x6B40] =	vst v0;
	v0 =	vld [tilespmem:$0x5850]  }
0xbc: {  	v8 =	vld [tilespmem:s17+$0x60D0]  }
0xbd: {  	v13 =	vld [tilespmem:s17+$0x28D0]  }
0xbe: {  	v14 =	vld [tilespmem:s17+$0x30D0]  }
0xbf: {  	v12 =	vld [tilespmem:s17+$0x38D0]  }
0xc0: {  	v9 =	vld [tilespmem:s17+$0x40D0]  }
0xc1: {  	v7 =	vld [tilespmem:s17+$0x48D0]  }
0xc2: {  	v6 =	vld [tilespmem:s17+$0x50D0]  }
0xc3: {  	s16 =	simm.s32 $0x400;
	s15 =	simm.s32 $0x80;
	v5 =	vmax.f32 v5, v8;
	v10 =	vmax.f32 v10, v13;
	v11 =	vmax.f32 v11, v14;
	v8 =	vld [tilespmem:s17+$0x58D0]  }
.LBB2_13:
0xc4: {  	p0 =	sne.s32 s16, $0x1C00;
	v13 =	vld [tilespmem:s15+$0x60D0];
	v2 =	vmax.f32 v2, v12  }
0xc5: {  	v14 =	vld [tilespmem:s15+$0x28D0];
	v3 =	vmax.f32 v3, v9  }
0xc6: {  	v15 =	vld [tilespmem:s15+$0x30D0];
	v4 =	vmax.f32 v4, v7  }
.Ltmp5:
0xc7: {  	v12 =	vld [tilespmem:s15+$0x38D0];
	v1 =	vmax.f32 v1, v6;
	(pc) =	sbr.rel @p0 .LBB2_13-.Ltmp5, $4  }
0xc8: {  	v9 =	vld [tilespmem:s15+$0x40D0];
	v0 =	vmax.f32 v0, v8  }
0xc9: {  	v7 =	vld [tilespmem:s15+$0x48D0];
	v5 =	vmax.f32 v5, v13  }
0xca: {  	v10 =	vmax.f32 v10, v14;
	v6 =	vld [tilespmem:s15+$0x50D0]  }
0xcb: {  	v11 =	vmax.f32 v11, v15;
	v8 =	vld [tilespmem:s15+$0x58D0];
	s15 =	sshra.s32 s16, $0x2;
	s16 =	sadd.s32 $0x200, s16  }
0xcc: {  	v13 =	vld [tilespmem:s15+$0x60D0]  }
0xcd: {  	v14 =	vld [tilespmem:s15+$0x28D0]  }
0xce: {  	v15 =	vld [tilespmem:s15+$0x30D0]  }
0xcf: {  	v16 =	vld [tilespmem:s15+$0x38D0]  }
0xd0: {  	v17 =	vld [tilespmem:s15+$0x40D0]  }
0xd1: {  	v18 =	vld [tilespmem:s15+$0x48D0]  }
0xd2: {  	v19 =	vld [tilespmem:s15+$0x50D0]  }
0xd3: {  	v10 =	vmax.f32 v10, v14;
	v14 =	vld [tilespmem:s15+$0x58D0]  }
0xd4: {  	v2 =	vmax.f32 v2, v12;
	v11 =	vmax.f32 v11, v15;
	[tilespmem:$0x6850] =	vst v10;
	v10 =	vld [tilespmem:$0x2860]  }
0xd5: {  	v3 =	vmax.f32 v3, v9;
	v2 =	vmax.f32 v2, v16;
	[tilespmem:$0x68D0] =	vst v11;
	v11 =	vld [tilespmem:$0x3060]  }
0xd6: {  	v4 =	vmax.f32 v4, v7;
	v3 =	vmax.f32 v3, v17;
	[tilespmem:$0x6950] =	vst v2;
	v2 =	vld [tilespmem:$0x3860]  }
0xd7: {  	v1 =	vmax.f32 v1, v6;
	v4 =	vmax.f32 v4, v18;
	[tilespmem:$0x69D0] =	vst v3;
	v3 =	vld [tilespmem:$0x4060]  }
0xd8: {  	v1 =	vmax.f32 v1, v19;
	[tilespmem:$0x6A50] =	vst v4;
	v4 =	vld [tilespmem:$0x4860]  }
0xd9: {  	v0 =	vmax.f32 v0, v8;
	v5 =	vmax.f32 v5, v13;
	[tilespmem:$0x6AD0] =	vst v1;
	v1 =	vld [tilespmem:$0x5060]  }
0xda: {  	[tilespmem:$0x6BD0] =	vst v5;
	v5 =	vld [tilespmem:$0x6060];
	v0 =	vmax.f32 v0, v14  }
0xdb: {  	s17 =	simm.s32 $0x0;
	[tilespmem:$0x6B50] =	vst v0;
	v0 =	vld [tilespmem:$0x5860]  }
0xdc: {  	v8 =	vld [tilespmem:s17+$0x60E0]  }
0xdd: {  	v13 =	vld [tilespmem:s17+$0x28E0]  }
0xde: {  	v14 =	vld [tilespmem:s17+$0x30E0]  }
0xdf: {  	v12 =	vld [tilespmem:s17+$0x38E0]  }
0xe0: {  	v9 =	vld [tilespmem:s17+$0x40E0]  }
0xe1: {  	v7 =	vld [tilespmem:s17+$0x48E0]  }
0xe2: {  	v6 =	vld [tilespmem:s17+$0x50E0]  }
0xe3: {  	s16 =	simm.s32 $0x400;
	s15 =	simm.s32 $0x80;
	v5 =	vmax.f32 v5, v8;
	v10 =	vmax.f32 v10, v13;
	v11 =	vmax.f32 v11, v14;
	v8 =	vld [tilespmem:s17+$0x58E0]  }
.LBB2_15:
0xe4: {  	p0 =	sne.s32 s16, $0x1C00;
	v13 =	vld [tilespmem:s15+$0x60E0];
	v2 =	vmax.f32 v2, v12  }
0xe5: {  	v14 =	vld [tilespmem:s15+$0x28E0];
	v3 =	vmax.f32 v3, v9  }
0xe6: {  	v15 =	vld [tilespmem:s15+$0x30E0];
	v4 =	vmax.f32 v4, v7  }
.Ltmp6:
0xe7: {  	v12 =	vld [tilespmem:s15+$0x38E0];
	v1 =	vmax.f32 v1, v6;
	(pc) =	sbr.rel @p0 .LBB2_15-.Ltmp6, $4  }
0xe8: {  	v9 =	vld [tilespmem:s15+$0x40E0];
	v0 =	vmax.f32 v0, v8  }
0xe9: {  	v7 =	vld [tilespmem:s15+$0x48E0];
	v5 =	vmax.f32 v5, v13  }
0xea: {  	v10 =	vmax.f32 v10, v14;
	v6 =	vld [tilespmem:s15+$0x50E0]  }
0xeb: {  	v11 =	vmax.f32 v11, v15;
	v8 =	vld [tilespmem:s15+$0x58E0];
	s15 =	sshra.s32 s16, $0x2;
	s16 =	sadd.s32 $0x200, s16  }
0xec: {  	v13 =	vld [tilespmem:s15+$0x60E0]  }
0xed: {  	v14 =	vld [tilespmem:s15+$0x28E0]  }
0xee: {  	v15 =	vld [tilespmem:s15+$0x30E0]  }
0xef: {  	v16 =	vld [tilespmem:s15+$0x38E0]  }
0xf0: {  	v17 =	vld [tilespmem:s15+$0x40E0]  }
0xf1: {  	v18 =	vld [tilespmem:s15+$0x48E0]  }
0xf2: {  	v19 =	vld [tilespmem:s15+$0x50E0]  }
0xf3: {  	v3 =	vmax.f32 v3, v9;
	v9 =	vld [tilespmem:$0x3070];
	v10 =	vmax.f32 v10, v14  }
0xf4: {  	v2 =	vmax.f32 v2, v12;
	v14 =	vld [tilespmem:s15+$0x58E0];
	v11 =	vmax.f32 v11, v15;
	[tilespmem:$0x6860] =	vst v10  }
0xf5: {  	v6 =	vmax.f32 v1, v6;
	v1 =	vld [tilespmem:$0x4070];
	v2 =	vmax.f32 v2, v16;
	[tilespmem:$0x68E0] =	vst v11  }
0xf6: {  	v4 =	vmax.f32 v4, v7;
	v3 =	vmax.f32 v3, v17;
	v10 =	vld [tilespmem:$0x2870];
	[tilespmem:$0x6960] =	vst v2  }
0xf7: {  	v4 =	vmax.f32 v4, v18;
	v2 =	vld [tilespmem:$0x3870];
	[tilespmem:$0x69E0] =	vst v3  }
0xf8: {  	v5 =	vmax.f32 v5, v13;
	v3 =	vmax.f32 v0, v8;
	[tilespmem:$0x6A60] =	vst v4;
	v0 =	vld [tilespmem:$0x4870]  }
0xf9: {  	v6 =	vmax.f32 v6, v19;
	[tilespmem:$0x6BE0] =	vst v5;
	v5 =	vld [tilespmem:$0x6070]  }
0xfa: {  	[tilespmem:$0x6AE0] =	vst v6;
	v4 =	vmax.f32 v3, v14;
	v3 =	vld [tilespmem:$0x5070]  }
0xfb: {  	s17 =	simm.s32 $0x0;
	[tilespmem:$0x6B60] =	vst v4;
	v4 =	vld [tilespmem:$0x5870]  }
0xfc: {  	v11 =	vld [tilespmem:s17+$0x60F0]  }
0xfd: {  	v13 =	vld [tilespmem:s17+$0x28F0]  }
0xfe: {  	v14 =	vld [tilespmem:s17+$0x30F0]  }
0xff: {  	v12 =	vld [tilespmem:s17+$0x38F0]  }
0x100: {  	v8 =	vld [tilespmem:s17+$0x40F0]  }
0x101: {  	v7 =	vld [tilespmem:s17+$0x48F0]  }
0x102: {  	v6 =	vld [tilespmem:s17+$0x50F0]  }
0x103: {  	s16 =	simm.s32 $0x400;
	s15 =	simm.s32 $0x80;
	v5 =	vmax.f32 v5, v11;
	v10 =	vmax.f32 v10, v13;
	v11 =	vmax.f32 v9, v14;
	v9 =	vld [tilespmem:s17+$0x58F0]  }
.LBB2_17:
0x104: {  	p0 =	sne.s32 s16, $0x1C00;
	v13 =	vld [tilespmem:s15+$0x60F0];
	v2 =	vmax.f32 v2, v12  }
0x105: {  	v14 =	vld [tilespmem:s15+$0x28F0];
	v1 =	vmax.f32 v1, v8  }
0x106: {  	v15 =	vld [tilespmem:s15+$0x30F0];
	v0 =	vmax.f32 v0, v7  }
.Ltmp7:
0x107: {  	v12 =	vld [tilespmem:s15+$0x38F0];
	v3 =	vmax.f32 v3, v6;
	(pc) =	sbr.rel @p0 .LBB2_17-.Ltmp7, $4  }
0x108: {  	v8 =	vld [tilespmem:s15+$0x40F0];
	v4 =	vmax.f32 v4, v9  }
0x109: {  	v7 =	vld [tilespmem:s15+$0x48F0];
	v5 =	vmax.f32 v5, v13  }
0x10a: {  	v10 =	vmax.f32 v10, v14;
	v6 =	vld [tilespmem:s15+$0x50F0]  }
0x10b: {  	v11 =	vmax.f32 v11, v15;
	v9 =	vld [tilespmem:s15+$0x58F0];
	s15 =	sshra.s32 s16, $0x2;
	s16 =	sadd.s32 $0x200, s16  }
0x10c: {  	v13 =	vld [tilespmem:s15+$0x60F0]  }
0x10d: {  	v14 =	vld [tilespmem:s15+$0x28F0]  }
0x10e: {  	v15 =	vld [tilespmem:s15+$0x30F0]  }
0x10f: {  	v16 =	vld [tilespmem:s15+$0x38F0]  }
0x110: {  	v17 =	vld [tilespmem:s15+$0x40F0]  }
0x111: {  	v18 =	vld [tilespmem:s15+$0x48F0]  }
0x112: {  	v59 =	vld [tilespmem:s15+$0x58F0];
	v10 =	vmax.f32 v10, v14  }
0x113: {  	v19 =	vld [tilespmem:s15+$0x50F0];
	v2 =	vmax.f32 v2, v12;
	v11 =	vmax.f32 v11, v15;
	[tilespmem:$0x6870] =	vst v10  }
0x114: {  	v1 =	vmax.f32 v1, v8;
	v2 =	vmax.f32 v2, v16;
	[tilespmem:$0x68F0] =	vst v11  }
0x115: {  	v0 =	vmax.f32 v0, v7;
	v1 =	vmax.f32 v1, v17;
	[tilespmem:$0x6970] =	vst v2  }
0x116: {  	v61 =	vmax.f32 v4, v9;
	v0 =	vmax.f32 v0, v18;
	[tilespmem:$0x69F0] =	vst v1  }
0x117: {  	v62 =	vmax.f32 v61, v59;
	[tilespmem:$0x6A70] =	vst v0  }
0x118: {  	s31 =	sadd.s32 s6, s14;
	s14 =	sadd.s32 $0x1, s14;
	v60 =	vmax.f32 v3, v6;
	v63 =	vmax.f32 v5, v13;
	[tilespmem:$0x6B70] =	vst v62  }
0x119: {  	s15 =	sshll.u32 s31, $0x7;
	p0 =	sne.s32 s14, $0x50;
	v2 =	vmax.f32 v60, v19;
	[tilespmem:$0x6BF0] =	vst v63  }
.Ltmp8:
0x11a: {  	s15 =	sadd.s32 s4, s15;
	[tilespmem:$0x6AF0] =	vst v2;
	(pc) =	sbr.rel @p0 .LBB2_2-.Ltmp8, $4  }
0x11b: {  	[hbm4b:s15+s2] =	stream.linear.scatter [tilespmem:s12], [sflag:$0x2], $0x400, $0x38;
	[tilespmem:$0x6C00] =	vst v63  }
0x11c: {  	_ =	swait.ge [sflag:s8], $0x400  }
0x11d: {  	[sflag:s8] =	ssyncset.done $0x0  }
0x11e: {  	[sflag:s8] =	ssyncadd.s32 $0xFFFFFC00  }
0x11f: {  	s13 =	sadd.s32 $0x1, s13  }
0x120: {  	p0 =	sne.s32 s13, s7  }
.Ltmp9:
0x121: {  	_ = 	snop;
	(pc) =	sbr.rel @p0 .LBB2_1-.Ltmp9, $1  }
0x122: {  	_ =	sdelay $0x3  }
0x123: {  	_ =	sfence.sel $0x180000  }
0x124: {  	[bflag:$0x0] =	sbarrier.arrive $0xFFFF  }
0x125: {  	p0 =	sne.s32 s0, $0x0;
	_ =	strace $0x90000047  }
0x126: {  	s0 =	sadd.s32 @!p0 $0x100000, s1;
	[bflag:$0x2] =	sbarrier.arrive $0xFFFF  }
0x127: {  	[sflag:s0] =	ssyncadd.tile.s32 @!p0 $0x1;
	_ =	shalt  }
.Lfunc_end2:
_tile_overlayer_lowered:
.L_overlay_start_2:
0x128: {  	(tag) =	ssettag $0x2  }
0x129: {  	s0 =	rddreg [dreg:$0x0];
	s2 =	stileid.u32  }
0x12a: {  	s1 =	rddreg [dreg:$0x1];
	p0 =	sne.s32 s2, $0x0  }
0x12b: {  	s3 =	rddreg [dreg:$0x2];
	[bflag:$0x3] =	sbarrier.arrive $0xFFFF;
	s2 =	simm.s32 @!p0 $0x1C02  }
0x12c: {  	[timem:s3], [sflag:s2] =	dma.local @!p0 [hbm:s0], s1  }
0x12d: {  	s0 =	simm.s32 @!p0 $0x2  }
0x12e: {  	_ =	swait.ge @!p0 [sflag:s0], s1  }
0x12f: {  	s1 =	ssub.s32 @!p0 $0x0, s1;
	[sflag:s0] =	ssyncset.done @!p0 $0x0  }
0x130: {  	[sflag:s0] =	ssyncadd.s32 @!p0 s1  }
0x131: {  	[bflag:$0x3] =	sbarrier.arrive $0xFFFF  }
0x132: {  	_ =	shalt  }

</sc_bundles>
